<compile_context>
chip_gen: v7x
topology: tpu7x:2x2x1
jax: 0.10.2.dev20260603
libtpu: 0.0.44.dev20260713+nightly
codegen_flags: <defaults>
</compile_context>

<pallas_src>
import functools

import jax
import jax.numpy as jnp
import numpy as np
from jax import lax
from jax.experimental import pallas as pl
from jax.experimental.pallas import tpu as pltpu

_NPOINT = 512
_K = 32
_GN_G = 32
_EPS = 1e-5
_MT = 128



def _fps_kernel(x_ref, y_ref, z_ref, start_ref, idx_ref, cx_ref, cy_ref, cz_ref):
    X = x_ref[...]
    Y = y_ref[...]
    Z = z_ref[...]
    B, N = X.shape
    iota = jax.lax.broadcasted_iota(jnp.int32, (B, N), 1)

    def body(i, carry):
        dist, far = carry
        mask = iota == far
        cx = jnp.sum(jnp.where(mask, X, 0.0), axis=1, keepdims=True)
        cy = jnp.sum(jnp.where(mask, Y, 0.0), axis=1, keepdims=True)
        cz = jnp.sum(jnp.where(mask, Z, 0.0), axis=1, keepdims=True)
        idx_ref[pl.ds(i, 1), :] = far.T
        cx_ref[pl.ds(i, 1), :] = cx.T
        cy_ref[pl.ds(i, 1), :] = cy.T
        cz_ref[pl.ds(i, 1), :] = cz.T
        dx = X - cx
        dy = Y - cy
        dz = Z - cz
        d = (dx * dx + dy * dy) + dz * dz
        dist = jnp.minimum(dist, d)
        m = jnp.max(dist, axis=1, keepdims=True)
        far_new = jnp.min(jnp.where(dist == m, iota, N), axis=1, keepdims=True)
        return dist, far_new

    dist0 = jnp.full((B, N), 1e10, dtype=jnp.float32)
    jax.lax.fori_loop(0, _NPOINT, body, (dist0, start_ref[...]))


def _fps_pallas(xyz):
    B, N, _ = xyz.shape
    start = jax.random.randint(jax.random.key(42), (B,), 0, N).astype(jnp.int32)
    xt = jnp.transpose(xyz, (2, 0, 1))
    out_shapes = (
        jax.ShapeDtypeStruct((_NPOINT, B), jnp.int32),
        jax.ShapeDtypeStruct((_NPOINT, B), jnp.float32),
        jax.ShapeDtypeStruct((_NPOINT, B), jnp.float32),
        jax.ShapeDtypeStruct((_NPOINT, B), jnp.float32),
    )
    idx, cx, cy, cz = pl.pallas_call(
        _fps_kernel,
        out_shape=out_shapes,
    )(xt[0], xt[1], xt[2], start[:, None])
    fps_idx = idx.T
    centroids = jnp.stack([cx.T, cy.T, cz.T], axis=-1)
    return fps_idx, centroids



def _pf_kernel(xyz_ref, feat_ref, cent_ref, w1xt_ref, w1ft_ref, pf_ref, c1_ref):
    xyz_b = xyz_ref[0]
    feat_b = feat_ref[0]
    cent_b = cent_ref[0]
    w1xt = w1xt_ref[...]
    w1ft = w1ft_ref[...]
    pf = jnp.dot(xyz_b, w1xt, preferred_element_type=jnp.float32)
    pf = pf + jnp.dot(feat_b, w1ft, preferred_element_type=jnp.float32)
    pf_ref[0] = pf
    c1_ref[0] = jnp.dot(cent_b, w1xt, preferred_element_type=jnp.float32)


def _pf_pallas(xyz, feat, centroids, W1):
    B, N, _ = xyz.shape
    C = feat.shape[2]
    H = W1.shape[0]
    M = centroids.shape[1]
    w1xt = jnp.transpose(W1[:, :3])
    w1ft = jnp.transpose(W1[:, 3:])
    return pl.pallas_call(
        _pf_kernel,
        grid=(B,),
        in_specs=[
            pl.BlockSpec((1, N, 3), lambda b: (b, 0, 0)),
            pl.BlockSpec((1, N, C), lambda b: (b, 0, 0)),
            pl.BlockSpec((1, M, 3), lambda b: (b, 0, 0)),
            pl.BlockSpec((3, H), lambda b: (0, 0)),
            pl.BlockSpec((C, H), lambda b: (0, 0)),
        ],
        out_specs=[
            pl.BlockSpec((1, N, H), lambda b: (b, 0, 0)),
            pl.BlockSpec((1, M, H), lambda b: (b, 0, 0)),
        ],
        out_shape=[
            jax.ShapeDtypeStruct((B, N, H), jnp.float32),
            jax.ShapeDtypeStruct((B, M, H), jnp.float32),
        ],
    )(xyz, feat, centroids, w1xt, w1ft)



_SC_NC = 2
_SC_NS = 16
_SC_CH = 128


def _sc_gather(table, gidx):
    from jax.experimental.pallas import tpu_sc as plsc

    T, D = table.shape
    G = gidx.shape[0]
    NW = _SC_NC * _SC_NS
    per_w = G // NW
    n_ch = per_w // _SC_CH
    assert per_w * NW == G and n_ch * _SC_CH == per_w
    mesh = plsc.VectorSubcoreMesh(core_axis_name="c", subcore_axis_name="s")

    @functools.partial(
        pl.kernel,
        mesh=mesh,
        out_type=jax.ShapeDtypeStruct((G, D), jnp.float32),
        scratch_types=[
            pltpu.VMEM((_SC_CH,), jnp.int32),
            pltpu.VMEM((_SC_CH, D), jnp.float32),
            pltpu.SemaphoreType.DMA,
        ],
    )
    def k(table_hbm, idx_hbm, out_hbm, idx_v, rows_v, sem):
        wid = lax.axis_index("s") * _SC_NC + lax.axis_index("c")
        base = wid * per_w

        def body(c, carry):
            off = base + c * _SC_CH
            pltpu.sync_copy(idx_hbm.at[pl.ds(off, _SC_CH)], idx_v)
            pltpu.async_copy(table_hbm.at[idx_v], rows_v, sem).wait()
            pltpu.sync_copy(rows_v, out_hbm.at[pl.ds(off, _SC_CH)])
            return carry

        lax.fori_loop(0, n_ch, body, 0)

    return k(table, gidx)



_KNN_MT = 256


def _knn_kernel(cent_ref, xyzt_ref, pack_ref, spack_ref, w_ref):
    imin = jnp.int32(-2147483648)
    xx = xyzt_ref[0]
    cent = cent_ref[0]
    x2 = jnp.sum(xx * xx, axis=0, keepdims=True)
    dot = jnp.dot(cent, xx, preferred_element_type=jnp.float32)
    e = x2 - 2.0 * dot
    b = jax.lax.bitcast_convert_type(e, jnp.int32)
    keys = jnp.where(b >= 0, b, jnp.int32(0x7FFFFFFF) - b)

    def body(i, p):
        bit = jnp.left_shift(jnp.int32(1), jnp.int32(31) - i)
        thresh = jnp.bitwise_xor(jnp.bitwise_or(p, bit), imin)
        cnt = jnp.sum(jnp.where(keys < thresh, 1, 0).astype(jnp.int32),
                      axis=1, keepdims=True)
        return jnp.where(cnt >= _K, p, jnp.bitwise_or(p, bit))

    p0 = jnp.zeros((keys.shape[0], 1), jnp.int32)
    p = jax.lax.fori_loop(0, 32, body, p0)
    t_s = jnp.bitwise_xor(p, imin)
    pk = pack_ref[...]
    sel_lt = jnp.where(keys < t_s, 1.0, 0.0)
    sel_eq = jnp.where(keys == t_s, 1.0, 0.0)
    w_lt = jnp.dot(sel_lt, pk[:, : pk.shape[1] // 2],
                   preferred_element_type=jnp.float32)
    w_eq = jnp.dot(sel_eq, pk[:, pk.shape[1] // 2 :],
                   preferred_element_type=jnp.float32)
    w_cat = jnp.concatenate([w_lt, w_eq], axis=1)
    nz = jnp.where(w_cat != 0.0, 1.0, 0.0)
    summ = jnp.dot(nz, spack_ref[...], preferred_element_type=jnp.float32)
    w_ref[0] = jnp.concatenate([w_cat, summ], axis=1).astype(jnp.int32)


def _knn_search(centroids, xyz):
    B, M, _ = centroids.shape
    N = xyz.shape[1]
    nmt = M // _KNN_MT
    nw = N // 16
    xyzt = jnp.transpose(xyz, (0, 2, 1))
    n_ar = np.arange(N)
    pk1 = np.zeros((N, nw), np.float32)
    pk1[n_ar, n_ar // 16] = (2.0 ** (n_ar % 16)).astype(np.float32)
    pk = jnp.asarray(np.concatenate([pk1, pk1], axis=1))
    nsum = 2 * nw // 16
    w_ar = np.arange(2 * nw)
    ps1 = np.zeros((2 * nw, nsum), np.float32)
    ps1[w_ar, w_ar // 16] = (2.0 ** (w_ar % 16)).astype(np.float32)
    ps = jnp.asarray(ps1)
    return pl.pallas_call(
        _knn_kernel,
        grid=(B, nmt),
        in_specs=[
            pl.BlockSpec((1, _KNN_MT, 3), lambda b, mt: (b, mt, 0)),
            pl.BlockSpec((1, 3, N), lambda b, mt: (b, 0, 0)),
            pl.BlockSpec((N, 2 * nw), lambda b, mt: (0, 0)),
            pl.BlockSpec((2 * nw, nsum), lambda b, mt: (0, 0)),
        ],
        out_specs=pl.BlockSpec((1, _KNN_MT, 2 * nw + nsum),
                               lambda b, mt: (b, mt, 0)),
        out_shape=jax.ShapeDtypeStruct((B, M, 2 * nw + nsum), jnp.int32),
    )(centroids, xyzt, pk, ps)



def _sc_select(words):
    from jax.experimental.pallas import tpu_sc as plsc

    R, W2 = words.shape
    NW = _SC_NC * _SC_NS
    per_w = R // NW
    nws = (W2 // 17) * 16
    nsum = W2 - nws
    hw = nws // 2
    assert per_w * NW == R
    mesh = plsc.VectorSubcoreMesh(core_axis_name="c", subcore_axis_name="s")
    dbr_tbl = (0, 1, 2, 5, 3, 9, 6, 11, 15, 4, 8, 10, 14, 7, 13, 12)

    @functools.partial(
        pl.kernel,
        mesh=mesh,
        out_type=jax.ShapeDtypeStruct((R * _K,), jnp.int32),
        scratch_types=[
            pltpu.VMEM((per_w * W2 + 16,), jnp.int32),
            pltpu.VMEM((per_w * _K,), jnp.int32),
            pltpu.SMEM((16,), jnp.int32),
            pltpu.SMEM((16,), jnp.int32),
            pltpu.SMEM((48,), jnp.int32),
        ],
    )
    def k(words_hbm, out_hbm, wbuf, obuf, tbl, pctbl, srow):
        wid = lax.axis_index("s") * _SC_NC + lax.axis_index("c")
        r0 = wid * per_w
        for i, v in enumerate(dbr_tbl):
            tbl[i] = jnp.int32(v)
        for i in range(16):
            pctbl[i] = jnp.int32(bin(i).count("1"))
        pltpu.sync_copy(words_hbm.at[pl.ds(r0 * W2, per_w * W2)],
                        wbuf.at[pl.ds(0, per_w * W2)])
        lane = jax.lax.broadcasted_iota(jnp.int32, (16,), 0)

        def row_body(j, _):
            def summ_body(sw, cnt):
                s0 = wbuf[pl.ds(j * W2 + nws + sw, 16)][0]
                s0 = jnp.where(cnt >= _K, 0, s0)
                pcs = (pctbl[jnp.bitwise_and(s0, 15)]
                       + pctbl[jnp.bitwise_and(s0 >> 4, 15)]
                       + pctbl[jnp.bitwise_and(s0 >> 8, 15)]
                       + pctbl[jnp.bitwise_and(s0 >> 12, 15)])

                def word_body(ti, c):
                    sx, cnt = c
                    slow = jnp.bitwise_and(sx, -sx)
                    wpos = tbl[jnp.bitwise_and(slow * 0x09AF, 0xFFFF) >> 12]
                    w = sw * 16 + wpos
                    x0 = wbuf[pl.ds(j * W2 + w, 16)][0]
                    x0 = jnp.where(cnt >= _K, 0, x0)
                    pc = (pctbl[jnp.bitwise_and(x0, 15)]
                          + pctbl[jnp.bitwise_and(x0 >> 4, 15)]
                          + pctbl[jnp.bitwise_and(x0 >> 8, 15)]
                          + pctbl[jnp.bitwise_and(x0 >> 12, 15)])

                    def bit_body(t, c2):
                        x, cnt = c2
                        low = jnp.bitwise_and(x, -x)
                        pos = tbl[jnp.bitwise_and(low * 0x09AF, 0xFFFF) >> 12]
                        srow[cnt] = (jnp.bitwise_and(w, hw - 1)) * 16 + pos
                        return jnp.bitwise_xor(x, low), cnt + 1

                    x, cnt = lax.fori_loop(0, pc, bit_body, (x0, cnt))
                    return jnp.bitwise_xor(sx, slow), cnt

                sx, cnt = lax.fori_loop(0, pcs, word_body, (s0, cnt))
                return cnt

            lax.fori_loop(0, nsum, summ_body, jnp.int32(0))
            v0 = jnp.zeros((16,), jnp.int32)
            v1 = jnp.zeros((16,), jnp.int32)
            for i in range(16):
                v0 = jnp.where(lane == i, srow[i], v0)
                v1 = jnp.where(lane == i, srow[16 + i], v1)
            obuf[pl.ds(j * _K, 16)] = v0
            obuf[pl.ds(j * _K + 16, 16)] = v1
            return _

        lax.fori_loop(0, per_w, row_body, 0)
        pltpu.sync_copy(obuf, out_hbm.at[pl.ds(r0 * _K, per_w * _K)])

    return k(words.reshape(-1)).reshape(R, _K)



def _passA_kernel(pfg_ref, c1_ref, sum_ref, sumsq_ref):
    mt = pl.program_id(1)
    H = pfg_ref.shape[2]
    x3 = pfg_ref[0].reshape(_MT, _K, H) - c1_ref[0][:, None, :]
    x2d = x3.reshape(_MT * _K, H)
    s = jnp.sum(x2d, axis=0, keepdims=True)
    ss = jnp.sum(x2d * x2d, axis=0, keepdims=True)

    @pl.when(mt == 0)
    def _init():
        sum_ref[0] = s
        sumsq_ref[0] = ss

    @pl.when(mt != 0)
    def _acc():
        sum_ref[0] += s
        sumsq_ref[0] += ss


def _passA(pfg, c1):
    B, MK, H = pfg.shape
    M = MK // _K
    nmt = M // _MT
    return pl.pallas_call(
        _passA_kernel,
        grid=(B, nmt),
        in_specs=[
            pl.BlockSpec((1, _MT * _K, H), lambda b, mt: (b, mt, 0)),
            pl.BlockSpec((1, _MT, H), lambda b, mt: (b, mt, 0)),
        ],
        out_specs=[
            pl.BlockSpec((1, 1, H), lambda b, mt: (b, 0, 0)),
            pl.BlockSpec((1, 1, H), lambda b, mt: (b, 0, 0)),
        ],
        out_shape=[
            jax.ShapeDtypeStruct((B, 1, H), jnp.float32),
            jax.ShapeDtypeStruct((B, 1, H), jnp.float32),
        ],
    )(pfg, c1)



def _passB_kernel(pfg_ref, c1_ref, m1_ref, r1_ref, w2t_ref,
                  maxh_ref, sum_ref, sumsq_ref):
    mt = pl.program_id(1)
    H = pfg_ref.shape[2]
    O = w2t_ref.shape[1]
    x3 = pfg_ref[0].reshape(_MT, _K, H) - c1_ref[0][:, None, :]
    h1n = jnp.maximum((x3 - m1_ref[0][None, :, :]) * r1_ref[0][None, :, :], 0.0)
    h2 = jnp.dot(h1n.reshape(_MT * _K, H), w2t_ref[...],
                 preferred_element_type=jnp.float32)
    s = jnp.sum(h2, axis=0, keepdims=True)
    ss = jnp.sum(h2 * h2, axis=0, keepdims=True)
    maxh_ref[0] = jnp.max(h2.reshape(_MT, _K, O), axis=1)

    @pl.when(mt == 0)
    def _init():
        sum_ref[0] = s
        sumsq_ref[0] = ss

    @pl.when(mt != 0)
    def _acc():
        sum_ref[0] += s
        sumsq_ref[0] += ss


def _passB(pfg, c1, mean1e, rstd1e, W2):
    B, MK, H = pfg.shape
    M = MK // _K
    nmt = M // _MT
    O = W2.shape[0]
    w2t = jnp.transpose(W2)
    return pl.pallas_call(
        _passB_kernel,
        grid=(B, nmt),
        in_specs=[
            pl.BlockSpec((1, _MT * _K, H), lambda b, mt: (b, mt, 0)),
            pl.BlockSpec((1, _MT, H), lambda b, mt: (b, mt, 0)),
            pl.BlockSpec((1, 1, H), lambda b, mt: (b, 0, 0)),
            pl.BlockSpec((1, 1, H), lambda b, mt: (b, 0, 0)),
            pl.BlockSpec((H, O), lambda b, mt: (0, 0)),
        ],
        out_specs=[
            pl.BlockSpec((1, _MT, O), lambda b, mt: (b, mt, 0)),
            pl.BlockSpec((1, 1, O), lambda b, mt: (b, 0, 0)),
            pl.BlockSpec((1, 1, O), lambda b, mt: (b, 0, 0)),
        ],
        out_shape=[
            jax.ShapeDtypeStruct((B, M, O), jnp.float32),
            jax.ShapeDtypeStruct((B, 1, O), jnp.float32),
            jax.ShapeDtypeStruct((B, 1, O), jnp.float32),
        ],
    )(pfg, c1, mean1e, rstd1e, w2t)



def _passC_kernel(x_ref, m_ref, r_ref, o_ref):
    o_ref[0] = jnp.maximum((x_ref[0] - m_ref[0]) * r_ref[0], 0.0)


def _passC(maxh2, mean2e, rstd2e):
    B, M, O = maxh2.shape
    return pl.pallas_call(
        _passC_kernel,
        grid=(B,),
        in_specs=[
            pl.BlockSpec((1, M, O), lambda b: (b, 0, 0)),
            pl.BlockSpec((1, 1, O), lambda b: (b, 0, 0)),
            pl.BlockSpec((1, 1, O), lambda b: (b, 0, 0)),
        ],
        out_specs=pl.BlockSpec((1, M, O), lambda b: (b, 0, 0)),
        out_shape=jax.ShapeDtypeStruct((B, M, O), jnp.float32),
    )(maxh2, mean2e, rstd2e)



def _fold_stats(sum_c, sumsq_c, count):
    B = sum_c.shape[0]
    C = sum_c.shape[2]
    cg = C // _GN_G
    sg = sum_c.reshape(B, _GN_G, cg).sum(axis=2)
    ssg = sumsq_c.reshape(B, _GN_G, cg).sum(axis=2)
    mean = sg / count
    var = ssg / count - mean * mean
    rstd = jax.lax.rsqrt(var + _EPS)
    meane = jnp.repeat(mean, cg, axis=1).reshape(B, 1, C)
    rstde = jnp.repeat(rstd, cg, axis=1).reshape(B, 1, C)
    return meane, rstde



def kernel(xyz, feat, W1, b1, gamma1, beta1, W2, b2, gamma2, beta2):
    B, N, _ = xyz.shape
    M = int(min(_NPOINT, N))
    k = int(min(_K, N))
    fps_idx, centroids = _fps_pallas(xyz)
    words = _knn_search(centroids, xyz)
    idx = _sc_select(words.reshape(B * M, words.shape[2]))
    idx = idx.reshape(B, M, k)

    pf, c1 = _pf_pallas(xyz, feat, centroids, W1)
    gidx = (idx + (jnp.arange(B, dtype=jnp.int32) * N)[:, None, None]).reshape(-1)
    pfg = _sc_gather(pf.reshape(B * N, pf.shape[2]), gidx)
    pfg = pfg.reshape(B, M * k, pf.shape[2])

    sum1, sumsq1 = _passA(pfg, c1)
    mean1e, rstd1e = _fold_stats(sum1, sumsq1, float(M * k * (pf.shape[2] // _GN_G)))
    maxh2, sum2, sumsq2 = _passB(pfg, c1, mean1e, rstd1e, W2)
    mean2e, rstd2e = _fold_stats(sum2, sumsq2, float(M * k * (W2.shape[0] // _GN_G)))
    new_feat = _passC(maxh2, mean2e, rstd2e)
    return (centroids, new_feat)

# --- scband reference (transcript-rebuilt; emitter-appended) ---
"""Pipeline reference for scband-point-net-set-abstraction-17824114278740 (READ-ONLY COPY).

The authoritative reference and input builder live on the scoring server;
editing this copy changes nothing except your own understanding.
"""

import jax, jax.numpy as jnp
import numpy as np

NPOINT = 512
K = 32
GN_G = 32
EPS = 1e-5


def setup_inputs(seed: int = 0) -> dict:
    key = jax.random.key(seed)
    ks = jax.random.split(key, 8)
    B, N, C_in = 8, 4096, 128
    xyz = jax.random.normal(ks[0], (B, N, 3), dtype=jnp.float32)
    feat = jax.random.normal(ks[1], (B, N, C_in), dtype=jnp.float32)
    c_in_total = 3 + C_in  # 131 (no positional encoding)
    h = 256 // 2           # bo // 2 = 128
    out = 256
    W1 = jax.random.normal(ks[2], (h, c_in_total), dtype=jnp.float32) * (1.0 / np.sqrt(c_in_total))
    b1 = jnp.zeros((h,), dtype=jnp.float32)
    gamma1 = jnp.ones((h,), dtype=jnp.float32)
    beta1 = jnp.zeros((h,), dtype=jnp.float32)
    W2 = jax.random.normal(ks[3], (out, h), dtype=jnp.float32) * (1.0 / np.sqrt(h))
    b2 = jnp.zeros((out,), dtype=jnp.float32)
    gamma2 = jnp.ones((out,), dtype=jnp.float32)
    beta2 = jnp.zeros((out,), dtype=jnp.float32)
    return {"xyz": xyz, "feat": feat, "W1": W1, "b1": b1, "gamma1": gamma1, "beta1": beta1,
            "W2": W2, "b2": b2, "gamma2": gamma2, "beta2": beta2}


def _fps(xyz, npoint):
    # farthest point sampling (torch.no_grad equivalent; indices only)
    B, N, _ = xyz.shape
    start = jax.random.randint(jax.random.key(42), (B,), 0, N).astype(jnp.int32)
    binds = jnp.arange(B)

    def body(i, carry):
        idx, dist, far = carry
        idx = idx.at[:, i].set(far)
        centroid = xyz[binds, far][:, None, :]
        d = jnp.sum((xyz - centroid) ** 2, axis=-1)
        dist = jnp.minimum(dist, d)
        far = jnp.argmax(dist, axis=-1).astype(jnp.int32)
        return (idx, dist, far)

    idx0 = jnp.zeros((B, npoint), dtype=jnp.int32)
    dist0 = jnp.full((B, N), 1e10, dtype=jnp.float32)
    idx, _, _ = jax.lax.fori_loop(0, npoint, body, (idx0, dist0, start))
    return idx


def _group_norm(x, gamma, beta, G):
    # x: (B, M, K, C); matches torch GroupNorm over (C_group, M, K) per batch
    B, M, Kk, C = x.shape
    xg = x.reshape(B, M, Kk, G, C // G)
    mean = jnp.mean(xg, axis=(1, 2, 4), keepdims=True)
    var = jnp.var(xg, axis=(1, 2, 4), keepdims=True)
    xg = (xg - mean) / jnp.sqrt(var + EPS)
    return xg.reshape(B, M, Kk, C) * gamma + beta


def reference(xyz, feat, W1, b1, gamma1, beta1, W2, b2, gamma2, beta2):
    B, N, _ = xyz.shape
    M = int(min(NPOINT, N))
    k = int(min(K, N))
    fps_idx = _fps(jax.lax.stop_gradient(xyz), M)  # (B, M) int32
    b2d = jnp.arange(B)[:, None]
    centroids = xyz[b2d, fps_idx]  # (B, M, 3) gather
    # knn: squared-euclidean has same top-k ordering as torch.cdist p=2
    x2 = jnp.sum(xyz ** 2, axis=-1)        # (B, N)
    c2 = jnp.sum(centroids ** 2, axis=-1)  # (B, M)
    d2 = c2[:, :, None] + x2[:, None, :] - 2.0 * jnp.einsum('bmd,bnd->bmn', centroids, xyz)
    _, idx = jax.lax.top_k(-d2, k)  # (B, M, k) smallest distances
    b3d = jnp.arange(B)[:, None, None]
    group_xyz = xyz[b3d, idx]                      # (B, M, k, 3) gather
    delta = group_xyz - centroids[:, :, None, :]
    gfeat = feat[b3d, idx]                         # (B, M, k, C_in) gather
    gf = jnp.concatenate([delta, gfeat], axis=-1)  # (B, M, k, 3+C_in)
    # branch MLP (1x1 Conv2d == per-point linear), GN, ReLU x2
    h = gf @ W1.T + b1
    h = _group_norm(h, gamma1, beta1, GN_G)
    h = jax.nn.relu(h)
    h = h @ W2.T + b2
    h = _group_norm(h, gamma2, beta2, GN_G)
    h = jax.nn.relu(h)
    new_feat = jnp.max(h, axis=2)  # max over K neighbors -> (B, M, out_ch)
    return (centroids, new_feat)

if __name__ == "__main__":
    import jax
    _d = setup_inputs()
    print(jax.jit(kernel)(*tuple(_d.values())))

</pallas_src>

<mosaic_0001>
#map = affine_map<(d0, d1) -> (0)>
module attributes {stable_mosaic.version = 14 : i64} {
  func.func @k(%arg0: i32, %arg1: i32, %arg2: memref<2228224xi32, #tpu.memory_space<hbm>>, %arg3: memref<131072xi32, #tpu.memory_space<hbm>>, %arg4: memref<69648xi32, #tpu.memory_space<vmem>>, %arg5: memref<4096xi32, #tpu.memory_space<vmem>>, %arg6: memref<16xi32, #tpu.memory_space<smem>>, %arg7: memref<16xi32, #tpu.memory_space<smem>>, %arg8: memref<48xi32, #tpu.memory_space<smem>>) attributes {dimension_semantics = [#tpu.dimension_semantics<core_parallel>, #tpu.dimension_semantics<subcore_parallel>], iteration_bounds = array<i64: 2, 16>, scalar_prefetch = 0 : i64, scratch_operands = 5 : i64, tpu.core_type = #tpu.core_type<sc_vector_subcore>, window_params = [{transform_indices = #map}, {transform_indices = #map}]} {
    %mul3A = arith.constant 2 : i32
    %mul3A_0 = arith.muli %arg1, %mul3A : i32
    %add3A = arith.addi %mul3A_0, %arg0 : i32
    %mul3A_1 = arith.constant 128 : i32
    %mul3A_2 = arith.muli %add3A, %mul3A_1 : i32
    %swap3A = arith.constant 0 : i32
    %swap3A_3 = arith.constant 0 : i32
    %swap3A_4 = arith.index_cast %swap3A_3 : i32 to index
    %swap3A_5 = memref.load %arg6[%swap3A_4] : memref<16xi32, #tpu.memory_space<smem>>
    memref.store %swap3A, %arg6[%swap3A_4] : memref<16xi32, #tpu.memory_space<smem>>
    %swap3A_6 = arith.constant 1 : i32
    %swap3A_7 = arith.constant 1 : i32
    %swap3A_8 = arith.index_cast %swap3A_7 : i32 to index
    %swap3A_9 = memref.load %arg6[%swap3A_8] : memref<16xi32, #tpu.memory_space<smem>>
    memref.store %swap3A_6, %arg6[%swap3A_8] : memref<16xi32, #tpu.memory_space<smem>>
    %swap3A_10 = arith.constant 2 : i32
    %swap3A_11 = arith.constant 2 : i32
    %swap3A_12 = arith.index_cast %swap3A_11 : i32 to index
    %swap3A_13 = memref.load %arg6[%swap3A_12] : memref<16xi32, #tpu.memory_space<smem>>
    memref.store %swap3A_10, %arg6[%swap3A_12] : memref<16xi32, #tpu.memory_space<smem>>
    %swap3A_14 = arith.constant 5 : i32
    %swap3A_15 = arith.constant 3 : i32
    %swap3A_16 = arith.index_cast %swap3A_15 : i32 to index
    %swap3A_17 = memref.load %arg6[%swap3A_16] : memref<16xi32, #tpu.memory_space<smem>>
    memref.store %swap3A_14, %arg6[%swap3A_16] : memref<16xi32, #tpu.memory_space<smem>>
    %swap3A_18 = arith.constant 3 : i32
    %swap3A_19 = arith.constant 4 : i32
    %swap3A_20 = arith.index_cast %swap3A_19 : i32 to index
    %swap3A_21 = memref.load %arg6[%swap3A_20] : memref<16xi32, #tpu.memory_space<smem>>
    memref.store %swap3A_18, %arg6[%swap3A_20] : memref<16xi32, #tpu.memory_space<smem>>
    %swap3A_22 = arith.constant 9 : i32
    %swap3A_23 = arith.constant 5 : i32
    %swap3A_24 = arith.index_cast %swap3A_23 : i32 to index
    %swap3A_25 = memref.load %arg6[%swap3A_24] : memref<16xi32, #tpu.memory_space<smem>>
    memref.store %swap3A_22, %arg6[%swap3A_24] : memref<16xi32, #tpu.memory_space<smem>>
    %swap3A_26 = arith.constant 6 : i32
    %swap3A_27 = arith.constant 6 : i32
    %swap3A_28 = arith.index_cast %swap3A_27 : i32 to index
    %swap3A_29 = memref.load %arg6[%swap3A_28] : memref<16xi32, #tpu.memory_space<smem>>
    memref.store %swap3A_26, %arg6[%swap3A_28] : memref<16xi32, #tpu.memory_space<smem>>
    %swap3A_30 = arith.constant 11 : i32
    %swap3A_31 = arith.constant 7 : i32
    %swap3A_32 = arith.index_cast %swap3A_31 : i32 to index
    %swap3A_33 = memref.load %arg6[%swap3A_32] : memref<16xi32, #tpu.memory_space<smem>>
    memref.store %swap3A_30, %arg6[%swap3A_32] : memref<16xi32, #tpu.memory_space<smem>>
    %swap3A_34 = arith.constant 15 : i32
    %swap3A_35 = arith.constant 8 : i32
    %swap3A_36 = arith.index_cast %swap3A_35 : i32 to index
    %swap3A_37 = memref.load %arg6[%swap3A_36] : memref<16xi32, #tpu.memory_space<smem>>
    memref.store %swap3A_34, %arg6[%swap3A_36] : memref<16xi32, #tpu.memory_space<smem>>
    %swap3A_38 = arith.constant 4 : i32
    %swap3A_39 = arith.constant 9 : i32
    %swap3A_40 = arith.index_cast %swap3A_39 : i32 to index
    %swap3A_41 = memref.load %arg6[%swap3A_40] : memref<16xi32, #tpu.memory_space<smem>>
    memref.store %swap3A_38, %arg6[%swap3A_40] : memref<16xi32, #tpu.memory_space<smem>>
    %swap3A_42 = arith.constant 8 : i32
    %swap3A_43 = arith.constant 10 : i32
    %swap3A_44 = arith.index_cast %swap3A_43 : i32 to index
    %swap3A_45 = memref.load %arg6[%swap3A_44] : memref<16xi32, #tpu.memory_space<smem>>
    memref.store %swap3A_42, %arg6[%swap3A_44] : memref<16xi32, #tpu.memory_space<smem>>
    %swap3A_46 = arith.constant 10 : i32
    %swap3A_47 = arith.constant 11 : i32
    %swap3A_48 = arith.index_cast %swap3A_47 : i32 to index
    %swap3A_49 = memref.load %arg6[%swap3A_48] : memref<16xi32, #tpu.memory_space<smem>>
    memref.store %swap3A_46, %arg6[%swap3A_48] : memref<16xi32, #tpu.memory_space<smem>>
    %swap3A_50 = arith.constant 14 : i32
    %swap3A_51 = arith.constant 12 : i32
    %swap3A_52 = arith.index_cast %swap3A_51 : i32 to index
    %swap3A_53 = memref.load %arg6[%swap3A_52] : memref<16xi32, #tpu.memory_space<smem>>
    memref.store %swap3A_50, %arg6[%swap3A_52] : memref<16xi32, #tpu.memory_space<smem>>
    %swap3A_54 = arith.constant 7 : i32
    %swap3A_55 = arith.constant 13 : i32
    %swap3A_56 = arith.index_cast %swap3A_55 : i32 to index
    %swap3A_57 = memref.load %arg6[%swap3A_56] : memref<16xi32, #tpu.memory_space<smem>>
    memref.store %swap3A_54, %arg6[%swap3A_56] : memref<16xi32, #tpu.memory_space<smem>>
    %swap3A_58 = arith.constant 13 : i32
    %swap3A_59 = arith.constant 14 : i32
    %swap3A_60 = arith.index_cast %swap3A_59 : i32 to index
    %swap3A_61 = memref.load %arg6[%swap3A_60] : memref<16xi32, #tpu.memory_space<smem>>
    memref.store %swap3A_58, %arg6[%swap3A_60] : memref<16xi32, #tpu.memory_space<smem>>
    %swap3A_62 = arith.constant 12 : i32
    %swap3A_63 = arith.constant 15 : i32
    %swap3A_64 = arith.index_cast %swap3A_63 : i32 to index
    %swap3A_65 = memref.load %arg6[%swap3A_64] : memref<16xi32, #tpu.memory_space<smem>>
    memref.store %swap3A_62, %arg6[%swap3A_64] : memref<16xi32, #tpu.memory_space<smem>>
    %swap3A_66 = arith.constant 0 : i32
    %swap3A_67 = arith.constant 0 : i32
    %swap3A_68 = arith.index_cast %swap3A_67 : i32 to index
    %swap3A_69 = memref.load %arg7[%swap3A_68] : memref<16xi32, #tpu.memory_space<smem>>
    memref.store %swap3A_66, %arg7[%swap3A_68] : memref<16xi32, #tpu.memory_space<smem>>
    %swap3A_70 = arith.constant 1 : i32
    %swap3A_71 = arith.constant 1 : i32
    %swap3A_72 = arith.index_cast %swap3A_71 : i32 to index
    %swap3A_73 = memref.load %arg7[%swap3A_72] : memref<16xi32, #tpu.memory_space<smem>>
    memref.store %swap3A_70, %arg7[%swap3A_72] : memref<16xi32, #tpu.memory_space<smem>>
    %swap3A_74 = arith.constant 1 : i32
    %swap3A_75 = arith.constant 2 : i32
    %swap3A_76 = arith.index_cast %swap3A_75 : i32 to index
    %swap3A_77 = memref.load %arg7[%swap3A_76] : memref<16xi32, #tpu.memory_space<smem>>
    memref.store %swap3A_74, %arg7[%swap3A_76] : memref<16xi32, #tpu.memory_space<smem>>
    %swap3A_78 = arith.constant 2 : i32
    %swap3A_79 = arith.constant 3 : i32
    %swap3A_80 = arith.index_cast %swap3A_79 : i32 to index
    %swap3A_81 = memref.load %arg7[%swap3A_80] : memref<16xi32, #tpu.memory_space<smem>>
    memref.store %swap3A_78, %arg7[%swap3A_80] : memref<16xi32, #tpu.memory_space<smem>>
    %swap3A_82 = arith.constant 1 : i32
    %swap3A_83 = arith.constant 4 : i32
    %swap3A_84 = arith.index_cast %swap3A_83 : i32 to index
    %swap3A_85 = memref.load %arg7[%swap3A_84] : memref<16xi32, #tpu.memory_space<smem>>
    memref.store %swap3A_82, %arg7[%swap3A_84] : memref<16xi32, #tpu.memory_space<smem>>
    %swap3A_86 = arith.constant 2 : i32
    %swap3A_87 = arith.constant 5 : i32
    %swap3A_88 = arith.index_cast %swap3A_87 : i32 to index
    %swap3A_89 = memref.load %arg7[%swap3A_88] : memref<16xi32, #tpu.memory_space<smem>>
    memref.store %swap3A_86, %arg7[%swap3A_88] : memref<16xi32, #tpu.memory_space<smem>>
    %swap3A_90 = arith.constant 2 : i32
    %swap3A_91 = arith.constant 6 : i32
    %swap3A_92 = arith.index_cast %swap3A_91 : i32 to index
    %swap3A_93 = memref.load %arg7[%swap3A_92] : memref<16xi32, #tpu.memory_space<smem>>
    memref.store %swap3A_90, %arg7[%swap3A_92] : memref<16xi32, #tpu.memory_space<smem>>
    %swap3A_94 = arith.constant 3 : i32
    %swap3A_95 = arith.constant 7 : i32
    %swap3A_96 = arith.index_cast %swap3A_95 : i32 to index
    %swap3A_97 = memref.load %arg7[%swap3A_96] : memref<16xi32, #tpu.memory_space<smem>>
    memref.store %swap3A_94, %arg7[%swap3A_96] : memref<16xi32, #tpu.memory_space<smem>>
    %swap3A_98 = arith.constant 1 : i32
    %swap3A_99 = arith.constant 8 : i32
    %swap3A_100 = arith.index_cast %swap3A_99 : i32 to index
    %swap3A_101 = memref.load %arg7[%swap3A_100] : memref<16xi32, #tpu.memory_space<smem>>
    memref.store %swap3A_98, %arg7[%swap3A_100] : memref<16xi32, #tpu.memory_space<smem>>
    %swap3A_102 = arith.constant 2 : i32
    %swap3A_103 = arith.constant 9 : i32
    %swap3A_104 = arith.index_cast %swap3A_103 : i32 to index
    %swap3A_105 = memref.load %arg7[%swap3A_104] : memref<16xi32, #tpu.memory_space<smem>>
    memref.store %swap3A_102, %arg7[%swap3A_104] : memref<16xi32, #tpu.memory_space<smem>>
    %swap3A_106 = arith.constant 2 : i32
    %swap3A_107 = arith.constant 10 : i32
    %swap3A_108 = arith.index_cast %swap3A_107 : i32 to index
    %swap3A_109 = memref.load %arg7[%swap3A_108] : memref<16xi32, #tpu.memory_space<smem>>
    memref.store %swap3A_106, %arg7[%swap3A_108] : memref<16xi32, #tpu.memory_space<smem>>
    %swap3A_110 = arith.constant 3 : i32
    %swap3A_111 = arith.constant 11 : i32
    %swap3A_112 = arith.index_cast %swap3A_111 : i32 to index
    %swap3A_113 = memref.load %arg7[%swap3A_112] : memref<16xi32, #tpu.memory_space<smem>>
    memref.store %swap3A_110, %arg7[%swap3A_112] : memref<16xi32, #tpu.memory_space<smem>>
    %swap3A_114 = arith.constant 2 : i32
    %swap3A_115 = arith.constant 12 : i32
    %swap3A_116 = arith.index_cast %swap3A_115 : i32 to index
    %swap3A_117 = memref.load %arg7[%swap3A_116] : memref<16xi32, #tpu.memory_space<smem>>
    memref.store %swap3A_114, %arg7[%swap3A_116] : memref<16xi32, #tpu.memory_space<smem>>
    %swap3A_118 = arith.constant 3 : i32
    %swap3A_119 = arith.constant 13 : i32
    %swap3A_120 = arith.index_cast %swap3A_119 : i32 to index
    %swap3A_121 = memref.load %arg7[%swap3A_120] : memref<16xi32, #tpu.memory_space<smem>>
    memref.store %swap3A_118, %arg7[%swap3A_120] : memref<16xi32, #tpu.memory_space<smem>>
    %swap3A_122 = arith.constant 3 : i32
    %swap3A_123 = arith.constant 14 : i32
    %swap3A_124 = arith.index_cast %swap3A_123 : i32 to index
    %swap3A_125 = memref.load %arg7[%swap3A_124] : memref<16xi32, #tpu.memory_space<smem>>
    memref.store %swap3A_122, %arg7[%swap3A_124] : memref<16xi32, #tpu.memory_space<smem>>
    %swap3A_126 = arith.constant 4 : i32
    %swap3A_127 = arith.constant 15 : i32
    %swap3A_128 = arith.index_cast %swap3A_127 : i32 to index
    %swap3A_129 = memref.load %arg7[%swap3A_128] : memref<16xi32, #tpu.memory_space<smem>>
    memref.store %swap3A_126, %arg7[%swap3A_128] : memref<16xi32, #tpu.memory_space<smem>>
    %mul3A_130 = arith.constant 544 : i32
    %mul3A_131 = arith.muli %mul3A_2, %mul3A_130 : i32
    "tpu.region"() ({
      %run_scoped3A = tpu.sem_alloc : memref<!tpu.dma_semaphore, #tpu.memory_space<semaphore_mem>>
      %dma_start3A = arith.constant 0 : i32
      %dma_start3A_139 = tpu.memref_slice %arg4[%dma_start3A] : memref<69648xi32, #tpu.memory_space<vmem>> -> memref<69632xi32, #tpu.memory_space<vmem>>
      %dma_start3A_140 = tpu.memref_slice %arg2[%mul3A_131] : memref<2228224xi32, #tpu.memory_space<hbm>> -> memref<69632xi32, #tpu.memory_space<hbm>>
      %dma_start3A_141 = arith.constant 0 : i32
      %dma_start3A_142 = tpu.memref_slice %arg4[%dma_start3A_141] : memref<69648xi32, #tpu.memory_space<vmem>> -> memref<69632xi32, #tpu.memory_space<vmem>>
      %dma_start3A_143 = tpu.memref_slice %arg2[%mul3A_131] : memref<2228224xi32, #tpu.memory_space<hbm>> -> memref<69632xi32, #tpu.memory_space<hbm>>
      tpu.enqueue_dma source(%dma_start3A_143 : memref<69632xi32, #tpu.memory_space<hbm>>) target(%dma_start3A_142 : memref<69632xi32, #tpu.memory_space<vmem>>) target_semaphore(%run_scoped3A : memref<!tpu.dma_semaphore, #tpu.memory_space<semaphore_mem>>)
      %dma_wait3A = arith.constant 0 : i32
      %dma_wait3A_144 = tpu.memref_slice %arg4[%dma_wait3A] : memref<69648xi32, #tpu.memory_space<vmem>> -> memref<69632xi32, #tpu.memory_space<vmem>>
      %dma_wait3A_145 = tpu.memref_slice %arg2[%mul3A_131] : memref<2228224xi32, #tpu.memory_space<hbm>> -> memref<69632xi32, #tpu.memory_space<hbm>>
      %dma_wait3A_146 = arith.constant 0 : i32
      %dma_wait3A_147 = tpu.memref_slice %arg4[%dma_wait3A_146] : memref<69648xi32, #tpu.memory_space<vmem>> -> memref<69632xi32, #tpu.memory_space<vmem>>
      %dma_wait3A_148 = tpu.memref_slice %arg2[%mul3A_131] : memref<2228224xi32, #tpu.memory_space<hbm>> -> memref<69632xi32, #tpu.memory_space<hbm>>
      tpu.wait_dma2 semaphore(%run_scoped3A : memref<!tpu.dma_semaphore, #tpu.memory_space<semaphore_mem>>) src(%dma_wait3A_148 : memref<69632xi32, #tpu.memory_space<hbm>>) dst(%dma_wait3A_147 : memref<69632xi32, #tpu.memory_space<vmem>>)
      tpu.yield
    }) : () -> ()
    %iota3A = tpu.iota {dimensions = array<i32: 0>} : vector<16xi32>
    %scan3A = arith.constant 0 : i32
    %scan3A_132 = arith.constant 0 : i32
    %scan3A_133 = arith.constant 128 : i32
    %scan3A_134 = arith.addi %scan3A_132, %scan3A_133 : i32
    %scan3A_135 = arith.constant 1 : i32
    scf.for %scan3A_139 = %scan3A_132 to %scan3A_134 step %scan3A_135  : i32 {
      %scan3A_140 = arith.constant 0 : i32
      %scan3A_141 = arith.constant 0 : i32
      %scan3A_142 = arith.constant 32 : i32
      %scan3A_143 = arith.addi %scan3A_141, %scan3A_142 : i32
      %scan3A_144 = arith.constant 1 : i32
      %scan3A_145 = scf.for %scan3A_417 = %scan3A_141 to %scan3A_143 step %scan3A_144 iter_args(%scan3A_418 = %scan3A_140) -> (i32)  : i32 {
        %mul3A_419 = arith.constant 544 : i32
        %mul3A_420 = arith.muli %scan3A_139, %mul3A_419 : i32
        %add3A_421 = arith.constant 512 : i32
        %add3A_422 = arith.addi %mul3A_420, %add3A_421 : i32
        %add3A_423 = arith.addi %add3A_422, %scan3A_417 : i32
        %get3A_424 = arith.index_cast %add3A_423 : i32 to index
        %get3A_425 = tpu.vector_load %arg4[%get3A_424] {strides = array<i32>} : memref<69648xi32, #tpu.memory_space<vmem>>, vector<16xi32>,
        %get3A_426 = vector.shape_cast %get3A_425 : vector<16xi32> to vector<16xi32>
        %slice3A = vector.extract_strided_slice %get3A_426 {offsets = [0], sizes = [1], strides = [1]} : vector<16xi32> to vector<1xi32>
        %squeeze3A = vector.extract %slice3A[0] : i32 from vector<1xi32>
        %ge3A = arith.constant 32 : i32
        %ge3A_427 = arith.cmpi sge, %scan3A_418, %ge3A : i32
        %jit3A = arith.constant 0 : i32
        %select_n3A_428 = arith.select %ge3A_427, %jit3A, %squeeze3A : i32
        %and3A = arith.constant 15 : i32
        %and3A_429 = arith.andi %select_n3A_428, %and3A : i32
        %get3A_430 = arith.index_cast %and3A_429 : i32 to index
        %get3A_431 = memref.load %arg7[%get3A_430] : memref<16xi32, #tpu.memory_space<smem>>
        %shift_right_arithmetic3A = arith.constant 4 : i32
        %shift_right_arithmetic3A_432 = arith.shrsi %select_n3A_428, %shift_right_arithmetic3A : i32
        %and3A_433 = arith.constant 15 : i32
        %and3A_434 = arith.andi %shift_right_arithmetic3A_432, %and3A_433 : i32
        %get3A_435 = arith.index_cast %and3A_434 : i32 to index
        %get3A_436 = memref.load %arg7[%get3A_435] : memref<16xi32, #tpu.memory_space<smem>>
        %add3A_437 = arith.addi %get3A_431, %get3A_436 : i32
        %shift_right_arithmetic3A_438 = arith.constant 8 : i32
        %shift_right_arithmetic3A_439 = arith.shrsi %select_n3A_428, %shift_right_arithmetic3A_438 : i32
        %and3A_440 = arith.constant 15 : i32
        %and3A_441 = arith.andi %shift_right_arithmetic3A_439, %and3A_440 : i32
        %get3A_442 = arith.index_cast %and3A_441 : i32 to index
        %get3A_443 = memref.load %arg7[%get3A_442] : memref<16xi32, #tpu.memory_space<smem>>
        %add3A_444 = arith.addi %add3A_437, %get3A_443 : i32
        %shift_right_arithmetic3A_445 = arith.constant 12 : i32
        %shift_right_arithmetic3A_446 = arith.shrsi %select_n3A_428, %shift_right_arithmetic3A_445 : i32
        %and3A_447 = arith.constant 15 : i32
        %and3A_448 = arith.andi %shift_right_arithmetic3A_446, %and3A_447 : i32
        %get3A_449 = arith.index_cast %and3A_448 : i32 to index
        %get3A_450 = memref.load %arg7[%get3A_449] : memref<16xi32, #tpu.memory_space<smem>>
        %add3A_451 = arith.addi %add3A_444, %get3A_450 : i32
        %while3A = arith.constant 0 : i32
        %while3A_452 = arith.subi %add3A_451, %while3A : i32
        %while3A_453 = arith.addi %while3A, %while3A_452 : i32
        %while3A_454 = arith.constant 1 : i32
        %while3A_455 = arith.divsi %while3A_452, %while3A_454 : i32
        %while3A_456 = arith.muli %while3A_455, %while3A_454 : i32
        %while3A_457 = arith.addi %while3A, %while3A_456 : i32
        %while3A_458 = arith.constant 1 : i32
        %while3A_459:2 = scf.for %while3A_462 = %while3A to %while3A_457 step %while3A_458 iter_args(%while3A_463 = %select_n3A_428, %while3A_464 = %scan3A_418) -> (i32, i32)  : i32 {
          %neg3A = arith.constant 0 : i32
          %neg3A_465 = arith.subi %neg3A, %while3A_463 : i32
          %and3A_466 = arith.andi %while3A_463, %neg3A_465 : i32
          %mul3A_467 = arith.constant 2479 : i32
          %mul3A_468 = arith.muli %and3A_466, %mul3A_467 : i32
          %and3A_469 = arith.constant 65535 : i32
          %and3A_470 = arith.andi %mul3A_468, %and3A_469 : i32
          %shift_right_arithmetic3A_471 = arith.constant 12 : i32
          %shift_right_arithmetic3A_472 = arith.shrsi %and3A_470, %shift_right_arithmetic3A_471 : i32
          %get3A_473 = arith.index_cast %shift_right_arithmetic3A_472 : i32 to index
          %get3A_474 = memref.load %arg6[%get3A_473] : memref<16xi32, #tpu.memory_space<smem>>
          %mul3A_475 = arith.constant 16 : i32
          %mul3A_476 = arith.muli %scan3A_417, %mul3A_475 : i32
          %add3A_477 = arith.addi %mul3A_476, %get3A_474 : i32
          %mul3A_478 = arith.constant 544 : i32
          %mul3A_479 = arith.muli %scan3A_139, %mul3A_478 : i32
          %add3A_480 = arith.addi %mul3A_479, %add3A_477 : i32
          %get3A_481 = arith.index_cast %add3A_480 : i32 to index
          %get3A_482 = tpu.vector_load %arg4[%get3A_481] {strides = array<i32>} : memref<69648xi32, #tpu.memory_space<vmem>>, vector<16xi32>,
          %get3A_483 = vector.shape_cast %get3A_482 : vector<16xi32> to vector<16xi32>
          %slice3A_484 = vector.extract_strided_slice %get3A_483 {offsets = [0], sizes = [1], strides = [1]} : vector<16xi32> to vector<1xi32>
          %squeeze3A_485 = vector.extract %slice3A_484[0] : i32 from vector<1xi32>
          %ge3A_486 = arith.constant 32 : i32
          %ge3A_487 = arith.cmpi sge, %while3A_464, %ge3A_486 : i32
          %jit3A_488 = arith.constant 0 : i32
          %select_n3A_489 = arith.select %ge3A_487, %jit3A_488, %squeeze3A_485 : i32
          %and3A_490 = arith.constant 15 : i32
          %and3A_491 = arith.andi %select_n3A_489, %and3A_490 : i32
          %get3A_492 = arith.index_cast %and3A_491 : i32 to index
          %get3A_493 = memref.load %arg7[%get3A_492] : memref<16xi32, #tpu.memory_space<smem>>
          %shift_right_arithmetic3A_494 = arith.constant 4 : i32
          %shift_right_arithmetic3A_495 = arith.shrsi %select_n3A_489, %shift_right_arithmetic3A_494 : i32
          %and3A_496 = arith.constant 15 : i32
          %and3A_497 = arith.andi %shift_right_arithmetic3A_495, %and3A_496 : i32
          %get3A_498 = arith.index_cast %and3A_497 : i32 to index
          %get3A_499 = memref.load %arg7[%get3A_498] : memref<16xi32, #tpu.memory_space<smem>>
          %add3A_500 = arith.addi %get3A_493, %get3A_499 : i32
          %shift_right_arithmetic3A_501 = arith.constant 8 : i32
          %shift_right_arithmetic3A_502 = arith.shrsi %select_n3A_489, %shift_right_arithmetic3A_501 : i32
          %and3A_503 = arith.constant 15 : i32
          %and3A_504 = arith.andi %shift_right_arithmetic3A_502, %and3A_503 : i32
          %get3A_505 = arith.index_cast %and3A_504 : i32 to index
          %get3A_506 = memref.load %arg7[%get3A_505] : memref<16xi32, #tpu.memory_space<smem>>
          %add3A_507 = arith.addi %add3A_500, %get3A_506 : i32
          %shift_right_arithmetic3A_508 = arith.constant 12 : i32
          %shift_right_arithmetic3A_509 = arith.shrsi %select_n3A_489, %shift_right_arithmetic3A_508 : i32
          %and3A_510 = arith.constant 15 : i32
          %and3A_511 = arith.andi %shift_right_arithmetic3A_509, %and3A_510 : i32
          %get3A_512 = arith.index_cast %and3A_511 : i32 to index
          %get3A_513 = memref.load %arg7[%get3A_512] : memref<16xi32, #tpu.memory_space<smem>>
          %add3A_514 = arith.addi %add3A_507, %get3A_513 : i32
          %while3A_515 = arith.constant 0 : i32
          %while3A_516 = arith.subi %add3A_514, %while3A_515 : i32
          %while3A_517 = arith.addi %while3A_515, %while3A_516 : i32
          %while3A_518 = arith.constant 1 : i32
          %while3A_519 = arith.divsi %while3A_516, %while3A_518 : i32
          %while3A_520 = arith.muli %while3A_519, %while3A_518 : i32
          %while3A_521 = arith.addi %while3A_515, %while3A_520 : i32
          %while3A_522 = arith.constant 1 : i32
          %while3A_523:2 = scf.for %while3A_526 = %while3A_515 to %while3A_521 step %while3A_522 iter_args(%while3A_527 = %select_n3A_489, %while3A_528 = %while3A_464) -> (i32, i32)  : i32 {
            %neg3A_529 = arith.constant 0 : i32
            %neg3A_530 = arith.subi %neg3A_529, %while3A_527 : i32
            %and3A_531 = arith.andi %while3A_527, %neg3A_530 : i32
            %mul3A_532 = arith.constant 2479 : i32
            %mul3A_533 = arith.muli %and3A_531, %mul3A_532 : i32
            %and3A_534 = arith.constant 65535 : i32
            %and3A_535 = arith.andi %mul3A_533, %and3A_534 : i32
            %shift_right_arithmetic3A_536 = arith.constant 12 : i32
            %shift_right_arithmetic3A_537 = arith.shrsi %and3A_535, %shift_right_arithmetic3A_536 : i32
            %get3A_538 = arith.index_cast %shift_right_arithmetic3A_537 : i32 to index
            %get3A_539 = memref.load %arg6[%get3A_538] : memref<16xi32, #tpu.memory_space<smem>>
            %and3A_540 = arith.constant 255 : i32
            %and3A_541 = arith.andi %add3A_477, %and3A_540 : i32
            %mul3A_542 = arith.constant 16 : i32
            %mul3A_543 = arith.muli %and3A_541, %mul3A_542 : i32
            %add3A_544 = arith.addi %mul3A_543, %get3A_539 : i32
            %swap3A_545 = arith.index_cast %while3A_528 : i32 to index
            %swap3A_546 = memref.load %arg8[%swap3A_545] : memref<48xi32, #tpu.memory_space<smem>>
            memref.store %add3A_544, %arg8[%swap3A_545] : memref<48xi32, #tpu.memory_space<smem>>
            %xor3A_547 = arith.xori %while3A_527, %and3A_531 : i32
            %add3A_548 = arith.constant 1 : i32
            %add3A_549 = arith.addi %while3A_528, %add3A_548 : i32
            scf.yield %xor3A_547, %add3A_549 : i32, i32
          }
          %while3A_524 = arith.constant 1 : i32
          %while3A_525:2 = scf.for %while3A_526 = %while3A_521 to %while3A_517 step %while3A_524 iter_args(%while3A_527 = %while3A_523#0, %while3A_528 = %while3A_523#1) -> (i32, i32)  : i32 {
            %neg3A_529 = arith.constant 0 : i32
            %neg3A_530 = arith.subi %neg3A_529, %while3A_527 : i32
            %and3A_531 = arith.andi %while3A_527, %neg3A_530 : i32
            %mul3A_532 = arith.constant 2479 : i32
            %mul3A_533 = arith.muli %and3A_531, %mul3A_532 : i32
            %and3A_534 = arith.constant 65535 : i32
            %and3A_535 = arith.andi %mul3A_533, %and3A_534 : i32
            %shift_right_arithmetic3A_536 = arith.constant 12 : i32
            %shift_right_arithmetic3A_537 = arith.shrsi %and3A_535, %shift_right_arithmetic3A_536 : i32
            %get3A_538 = arith.index_cast %shift_right_arithmetic3A_537 : i32 to index
            %get3A_539 = memref.load %arg6[%get3A_538] : memref<16xi32, #tpu.memory_space<smem>>
            %and3A_540 = arith.constant 255 : i32
            %and3A_541 = arith.andi %add3A_477, %and3A_540 : i32
            %mul3A_542 = arith.constant 16 : i32
            %mul3A_543 = arith.muli %and3A_541, %mul3A_542 : i32
            %add3A_544 = arith.addi %mul3A_543, %get3A_539 : i32
            %swap3A_545 = arith.index_cast %while3A_528 : i32 to index
            %swap3A_546 = memref.load %arg8[%swap3A_545] : memref<48xi32, #tpu.memory_space<smem>>
            memref.store %add3A_544, %arg8[%swap3A_545] : memref<48xi32, #tpu.memory_space<smem>>
            %xor3A_547 = arith.xori %while3A_527, %and3A_531 : i32
            %add3A_548 = arith.constant 1 : i32
            %add3A_549 = arith.addi %while3A_528, %add3A_548 : i32
            scf.yield %xor3A_547, %add3A_549 : i32, i32
          }
          %xor3A = arith.xori %while3A_463, %and3A_466 : i32
          scf.yield %xor3A, %while3A_525#1 : i32, i32
        }
        %while3A_460 = arith.constant 1 : i32
        %while3A_461:2 = scf.for %while3A_462 = %while3A_457 to %while3A_453 step %while3A_460 iter_args(%while3A_463 = %while3A_459#0, %while3A_464 = %while3A_459#1) -> (i32, i32)  : i32 {
          %neg3A = arith.constant 0 : i32
          %neg3A_465 = arith.subi %neg3A, %while3A_463 : i32
          %and3A_466 = arith.andi %while3A_463, %neg3A_465 : i32
          %mul3A_467 = arith.constant 2479 : i32
          %mul3A_468 = arith.muli %and3A_466, %mul3A_467 : i32
          %and3A_469 = arith.constant 65535 : i32
          %and3A_470 = arith.andi %mul3A_468, %and3A_469 : i32
          %shift_right_arithmetic3A_471 = arith.constant 12 : i32
          %shift_right_arithmetic3A_472 = arith.shrsi %and3A_470, %shift_right_arithmetic3A_471 : i32
          %get3A_473 = arith.index_cast %shift_right_arithmetic3A_472 : i32 to index
          %get3A_474 = memref.load %arg6[%get3A_473] : memref<16xi32, #tpu.memory_space<smem>>
          %mul3A_475 = arith.constant 16 : i32
          %mul3A_476 = arith.muli %scan3A_417, %mul3A_475 : i32
          %add3A_477 = arith.addi %mul3A_476, %get3A_474 : i32
          %mul3A_478 = arith.constant 544 : i32
          %mul3A_479 = arith.muli %scan3A_139, %mul3A_478 : i32
          %add3A_480 = arith.addi %mul3A_479, %add3A_477 : i32
          %get3A_481 = arith.index_cast %add3A_480 : i32 to index
          %get3A_482 = tpu.vector_load %arg4[%get3A_481] {strides = array<i32>} : memref<69648xi32, #tpu.memory_space<vmem>>, vector<16xi32>,
          %get3A_483 = vector.shape_cast %get3A_482 : vector<16xi32> to vector<16xi32>
          %slice3A_484 = vector.extract_strided_slice %get3A_483 {offsets = [0], sizes = [1], strides = [1]} : vector<16xi32> to vector<1xi32>
          %squeeze3A_485 = vector.extract %slice3A_484[0] : i32 from vector<1xi32>
          %ge3A_486 = arith.constant 32 : i32
          %ge3A_487 = arith.cmpi sge, %while3A_464, %ge3A_486 : i32
          %jit3A_488 = arith.constant 0 : i32
          %select_n3A_489 = arith.select %ge3A_487, %jit3A_488, %squeeze3A_485 : i32
          %and3A_490 = arith.constant 15 : i32
          %and3A_491 = arith.andi %select_n3A_489, %and3A_490 : i32
          %get3A_492 = arith.index_cast %and3A_491 : i32 to index
          %get3A_493 = memref.load %arg7[%get3A_492] : memref<16xi32, #tpu.memory_space<smem>>
          %shift_right_arithmetic3A_494 = arith.constant 4 : i32
          %shift_right_arithmetic3A_495 = arith.shrsi %select_n3A_489, %shift_right_arithmetic3A_494 : i32
          %and3A_496 = arith.constant 15 : i32
          %and3A_497 = arith.andi %shift_right_arithmetic3A_495, %and3A_496 : i32
          %get3A_498 = arith.index_cast %and3A_497 : i32 to index
          %get3A_499 = memref.load %arg7[%get3A_498] : memref<16xi32, #tpu.memory_space<smem>>
          %add3A_500 = arith.addi %get3A_493, %get3A_499 : i32
          %shift_right_arithmetic3A_501 = arith.constant 8 : i32
          %shift_right_arithmetic3A_502 = arith.shrsi %select_n3A_489, %shift_right_arithmetic3A_501 : i32
          %and3A_503 = arith.constant 15 : i32
          %and3A_504 = arith.andi %shift_right_arithmetic3A_502, %and3A_503 : i32
          %get3A_505 = arith.index_cast %and3A_504 : i32 to index
          %get3A_506 = memref.load %arg7[%get3A_505] : memref<16xi32, #tpu.memory_space<smem>>
          %add3A_507 = arith.addi %add3A_500, %get3A_506 : i32
          %shift_right_arithmetic3A_508 = arith.constant 12 : i32
          %shift_right_arithmetic3A_509 = arith.shrsi %select_n3A_489, %shift_right_arithmetic3A_508 : i32
          %and3A_510 = arith.constant 15 : i32
          %and3A_511 = arith.andi %shift_right_arithmetic3A_509, %and3A_510 : i32
          %get3A_512 = arith.index_cast %and3A_511 : i32 to index
          %get3A_513 = memref.load %arg7[%get3A_512] : memref<16xi32, #tpu.memory_space<smem>>
          %add3A_514 = arith.addi %add3A_507, %get3A_513 : i32
          %while3A_515 = arith.constant 0 : i32
          %while3A_516 = arith.subi %add3A_514, %while3A_515 : i32
          %while3A_517 = arith.addi %while3A_515, %while3A_516 : i32
          %while3A_518 = arith.constant 1 : i32
          %while3A_519 = arith.divsi %while3A_516, %while3A_518 : i32
          %while3A_520 = arith.muli %while3A_519, %while3A_518 : i32
          %while3A_521 = arith.addi %while3A_515, %while3A_520 : i32
          %while3A_522 = arith.constant 1 : i32
          %while3A_523:2 = scf.for %while3A_526 = %while3A_515 to %while3A_521 step %while3A_522 iter_args(%while3A_527 = %select_n3A_489, %while3A_528 = %while3A_464) -> (i32, i32)  : i32 {
            %neg3A_529 = arith.constant 0 : i32
            %neg3A_530 = arith.subi %neg3A_529, %while3A_527 : i32
            %and3A_531 = arith.andi %while3A_527, %neg3A_530 : i32
            %mul3A_532 = arith.constant 2479 : i32
            %mul3A_533 = arith.muli %and3A_531, %mul3A_532 : i32
            %and3A_534 = arith.constant 65535 : i32
            %and3A_535 = arith.andi %mul3A_533, %and3A_534 : i32
            %shift_right_arithmetic3A_536 = arith.constant 12 : i32
            %shift_right_arithmetic3A_537 = arith.shrsi %and3A_535, %shift_right_arithmetic3A_536 : i32
            %get3A_538 = arith.index_cast %shift_right_arithmetic3A_537 : i32 to index
            %get3A_539 = memref.load %arg6[%get3A_538] : memref<16xi32, #tpu.memory_space<smem>>
            %and3A_540 = arith.constant 255 : i32
            %and3A_541 = arith.andi %add3A_477, %and3A_540 : i32
            %mul3A_542 = arith.constant 16 : i32
            %mul3A_543 = arith.muli %and3A_541, %mul3A_542 : i32
            %add3A_544 = arith.addi %mul3A_543, %get3A_539 : i32
            %swap3A_545 = arith.index_cast %while3A_528 : i32 to index
            %swap3A_546 = memref.load %arg8[%swap3A_545] : memref<48xi32, #tpu.memory_space<smem>>
            memref.store %add3A_544, %arg8[%swap3A_545] : memref<48xi32, #tpu.memory_space<smem>>
            %xor3A_547 = arith.xori %while3A_527, %and3A_531 : i32
            %add3A_548 = arith.constant 1 : i32
            %add3A_549 = arith.addi %while3A_528, %add3A_548 : i32
            scf.yield %xor3A_547, %add3A_549 : i32, i32
          }
          %while3A_524 = arith.constant 1 : i32
          %while3A_525:2 = scf.for %while3A_526 = %while3A_521 to %while3A_517 step %while3A_524 iter_args(%while3A_527 = %while3A_523#0, %while3A_528 = %while3A_523#1) -> (i32, i32)  : i32 {
            %neg3A_529 = arith.constant 0 : i32
            %neg3A_530 = arith.subi %neg3A_529, %while3A_527 : i32
            %and3A_531 = arith.andi %while3A_527, %neg3A_530 : i32
            %mul3A_532 = arith.constant 2479 : i32
            %mul3A_533 = arith.muli %and3A_531, %mul3A_532 : i32
            %and3A_534 = arith.constant 65535 : i32
            %and3A_535 = arith.andi %mul3A_533, %and3A_534 : i32
            %shift_right_arithmetic3A_536 = arith.constant 12 : i32
            %shift_right_arithmetic3A_537 = arith.shrsi %and3A_535, %shift_right_arithmetic3A_536 : i32
            %get3A_538 = arith.index_cast %shift_right_arithmetic3A_537 : i32 to index
            %get3A_539 = memref.load %arg6[%get3A_538] : memref<16xi32, #tpu.memory_space<smem>>
            %and3A_540 = arith.constant 255 : i32
            %and3A_541 = arith.andi %add3A_477, %and3A_540 : i32
            %mul3A_542 = arith.constant 16 : i32
            %mul3A_543 = arith.muli %and3A_541, %mul3A_542 : i32
            %add3A_544 = arith.addi %mul3A_543, %get3A_539 : i32
            %swap3A_545 = arith.index_cast %while3A_528 : i32 to index
            %swap3A_546 = memref.load %arg8[%swap3A_545] : memref<48xi32, #tpu.memory_space<smem>>
            memref.store %add3A_544, %arg8[%swap3A_545] : memref<48xi32, #tpu.memory_space<smem>>
            %xor3A_547 = arith.xori %while3A_527, %and3A_531 : i32
            %add3A_548 = arith.constant 1 : i32
            %add3A_549 = arith.addi %while3A_528, %add3A_548 : i32
            scf.yield %xor3A_547, %add3A_549 : i32, i32
          }
          %xor3A = arith.xori %while3A_463, %and3A_466 : i32
          scf.yield %xor3A, %while3A_525#1 : i32, i32
        }
        scf.yield %while3A_461#1 : i32
      }
      %scan3A_146 = arith.constant 32 : i32
      %broadcast_in_dim3A = arith.constant 0 : i32
      %broadcast_in_dim3A_147 = vector.broadcast %broadcast_in_dim3A : i32 to vector<16xi32>
      %broadcast_in_dim3A_148 = arith.constant 0 : i32
      %broadcast_in_dim3A_149 = vector.broadcast %broadcast_in_dim3A_148 : i32 to vector<16xi32>
      %eq3A = arith.constant 0 : i32
      %eq3A_150 = vector.broadcast %eq3A : i32 to vector<16xi32>
      %eq3A_151 = arith.cmpi eq, %iota3A, %eq3A_150 : vector<16xi32>
      %get3A = arith.constant 0 : i32
      %get3A_152 = arith.index_cast %get3A : i32 to index
      %get3A_153 = memref.load %arg8[%get3A_152] : memref<48xi32, #tpu.memory_space<smem>>
      %broadcast_in_dim3A_154 = vector.broadcast %get3A_153 : i32 to vector<16xi32>
      %select_n3A = arith.select %eq3A_151, %broadcast_in_dim3A_154, %broadcast_in_dim3A_147 : vector<16xi1>, vector<16xi32>
      %eq3A_155 = arith.constant 0 : i32
      %eq3A_156 = vector.broadcast %eq3A_155 : i32 to vector<16xi32>
      %eq3A_157 = arith.cmpi eq, %iota3A, %eq3A_156 : vector<16xi32>
      %get3A_158 = arith.constant 16 : i32
      %get3A_159 = arith.index_cast %get3A_158 : i32 to index
      %get3A_160 = memref.load %arg8[%get3A_159] : memref<48xi32, #tpu.memory_space<smem>>
      %broadcast_in_dim3A_161 = vector.broadcast %get3A_160 : i32 to vector<16xi32>
      %select_n3A_162 = arith.select %eq3A_157, %broadcast_in_dim3A_161, %broadcast_in_dim3A_149 : vector<16xi1>, vector<16xi32>
      %eq3A_163 = arith.constant 1 : i32
      %eq3A_164 = vector.broadcast %eq3A_163 : i32 to vector<16xi32>
      %eq3A_165 = arith.cmpi eq, %iota3A, %eq3A_164 : vector<16xi32>
      %get3A_166 = arith.constant 1 : i32
      %get3A_167 = arith.index_cast %get3A_166 : i32 to index
      %get3A_168 = memref.load %arg8[%get3A_167] : memref<48xi32, #tpu.memory_space<smem>>
      %broadcast_in_dim3A_169 = vector.broadcast %get3A_168 : i32 to vector<16xi32>
      %select_n3A_170 = arith.select %eq3A_165, %broadcast_in_dim3A_169, %select_n3A : vector<16xi1>, vector<16xi32>
      %eq3A_171 = arith.constant 1 : i32
      %eq3A_172 = vector.broadcast %eq3A_171 : i32 to vector<16xi32>
      %eq3A_173 = arith.cmpi eq, %iota3A, %eq3A_172 : vector<16xi32>
      %get3A_174 = arith.constant 17 : i32
      %get3A_175 = arith.index_cast %get3A_174 : i32 to index
      %get3A_176 = memref.load %arg8[%get3A_175] : memref<48xi32, #tpu.memory_space<smem>>
      %broadcast_in_dim3A_177 = vector.broadcast %get3A_176 : i32 to vector<16xi32>
      %select_n3A_178 = arith.select %eq3A_173, %broadcast_in_dim3A_177, %select_n3A_162 : vector<16xi1>, vector<16xi32>
      %eq3A_179 = arith.constant 2 : i32
      %eq3A_180 = vector.broadcast %eq3A_179 : i32 to vector<16xi32>
      %eq3A_181 = arith.cmpi eq, %iota3A, %eq3A_180 : vector<16xi32>
      %get3A_182 = arith.constant 2 : i32
      %get3A_183 = arith.index_cast %get3A_182 : i32 to index
      %get3A_184 = memref.load %arg8[%get3A_183] : memref<48xi32, #tpu.memory_space<smem>>
      %broadcast_in_dim3A_185 = vector.broadcast %get3A_184 : i32 to vector<16xi32>
      %select_n3A_186 = arith.select %eq3A_181, %broadcast_in_dim3A_185, %select_n3A_170 : vector<16xi1>, vector<16xi32>
      %eq3A_187 = arith.constant 2 : i32
      %eq3A_188 = vector.broadcast %eq3A_187 : i32 to vector<16xi32>
      %eq3A_189 = arith.cmpi eq, %iota3A, %eq3A_188 : vector<16xi32>
      %get3A_190 = arith.constant 18 : i32
      %get3A_191 = arith.index_cast %get3A_190 : i32 to index
      %get3A_192 = memref.load %arg8[%get3A_191] : memref<48xi32, #tpu.memory_space<smem>>
      %broadcast_in_dim3A_193 = vector.broadcast %get3A_192 : i32 to vector<16xi32>
      %select_n3A_194 = arith.select %eq3A_189, %broadcast_in_dim3A_193, %select_n3A_178 : vector<16xi1>, vector<16xi32>
      %eq3A_195 = arith.constant 3 : i32
      %eq3A_196 = vector.broadcast %eq3A_195 : i32 to vector<16xi32>
      %eq3A_197 = arith.cmpi eq, %iota3A, %eq3A_196 : vector<16xi32>
      %get3A_198 = arith.constant 3 : i32
      %get3A_199 = arith.index_cast %get3A_198 : i32 to index
      %get3A_200 = memref.load %arg8[%get3A_199] : memref<48xi32, #tpu.memory_space<smem>>
      %broadcast_in_dim3A_201 = vector.broadcast %get3A_200 : i32 to vector<16xi32>
      %select_n3A_202 = arith.select %eq3A_197, %broadcast_in_dim3A_201, %select_n3A_186 : vector<16xi1>, vector<16xi32>
      %eq3A_203 = arith.constant 3 : i32
      %eq3A_204 = vector.broadcast %eq3A_203 : i32 to vector<16xi32>
      %eq3A_205 = arith.cmpi eq, %iota3A, %eq3A_204 : vector<16xi32>
      %get3A_206 = arith.constant 19 : i32
      %get3A_207 = arith.index_cast %get3A_206 : i32 to index
      %get3A_208 = memref.load %arg8[%get3A_207] : memref<48xi32, #tpu.memory_space<smem>>
      %broadcast_in_dim3A_209 = vector.broadcast %get3A_208 : i32 to vector<16xi32>
      %select_n3A_210 = arith.select %eq3A_205, %broadcast_in_dim3A_209, %select_n3A_194 : vector<16xi1>, vector<16xi32>
      %eq3A_211 = arith.constant 4 : i32
      %eq3A_212 = vector.broadcast %eq3A_211 : i32 to vector<16xi32>
      %eq3A_213 = arith.cmpi eq, %iota3A, %eq3A_212 : vector<16xi32>
      %get3A_214 = arith.constant 4 : i32
      %get3A_215 = arith.index_cast %get3A_214 : i32 to index
      %get3A_216 = memref.load %arg8[%get3A_215] : memref<48xi32, #tpu.memory_space<smem>>
      %broadcast_in_dim3A_217 = vector.broadcast %get3A_216 : i32 to vector<16xi32>
      %select_n3A_218 = arith.select %eq3A_213, %broadcast_in_dim3A_217, %select_n3A_202 : vector<16xi1>, vector<16xi32>
      %eq3A_219 = arith.constant 4 : i32
      %eq3A_220 = vector.broadcast %eq3A_219 : i32 to vector<16xi32>
      %eq3A_221 = arith.cmpi eq, %iota3A, %eq3A_220 : vector<16xi32>
      %get3A_222 = arith.constant 20 : i32
      %get3A_223 = arith.index_cast %get3A_222 : i32 to index
      %get3A_224 = memref.load %arg8[%get3A_223] : memref<48xi32, #tpu.memory_space<smem>>
      %broadcast_in_dim3A_225 = vector.broadcast %get3A_224 : i32 to vector<16xi32>
      %select_n3A_226 = arith.select %eq3A_221, %broadcast_in_dim3A_225, %select_n3A_210 : vector<16xi1>, vector<16xi32>
      %eq3A_227 = arith.constant 5 : i32
      %eq3A_228 = vector.broadcast %eq3A_227 : i32 to vector<16xi32>
      %eq3A_229 = arith.cmpi eq, %iota3A, %eq3A_228 : vector<16xi32>
      %get3A_230 = arith.constant 5 : i32
      %get3A_231 = arith.index_cast %get3A_230 : i32 to index
      %get3A_232 = memref.load %arg8[%get3A_231] : memref<48xi32, #tpu.memory_space<smem>>
      %broadcast_in_dim3A_233 = vector.broadcast %get3A_232 : i32 to vector<16xi32>
      %select_n3A_234 = arith.select %eq3A_229, %broadcast_in_dim3A_233, %select_n3A_218 : vector<16xi1>, vector<16xi32>
      %eq3A_235 = arith.constant 5 : i32
      %eq3A_236 = vector.broadcast %eq3A_235 : i32 to vector<16xi32>
      %eq3A_237 = arith.cmpi eq, %iota3A, %eq3A_236 : vector<16xi32>
      %get3A_238 = arith.constant 21 : i32
      %get3A_239 = arith.index_cast %get3A_238 : i32 to index
      %get3A_240 = memref.load %arg8[%get3A_239] : memref<48xi32, #tpu.memory_space<smem>>
      %broadcast_in_dim3A_241 = vector.broadcast %get3A_240 : i32 to vector<16xi32>
      %select_n3A_242 = arith.select %eq3A_237, %broadcast_in_dim3A_241, %select_n3A_226 : vector<16xi1>, vector<16xi32>
      %eq3A_243 = arith.constant 6 : i32
      %eq3A_244 = vector.broadcast %eq3A_243 : i32 to vector<16xi32>
      %eq3A_245 = arith.cmpi eq, %iota3A, %eq3A_244 : vector<16xi32>
      %get3A_246 = arith.constant 6 : i32
      %get3A_247 = arith.index_cast %get3A_246 : i32 to index
      %get3A_248 = memref.load %arg8[%get3A_247] : memref<48xi32, #tpu.memory_space<smem>>
      %broadcast_in_dim3A_249 = vector.broadcast %get3A_248 : i32 to vector<16xi32>
      %select_n3A_250 = arith.select %eq3A_245, %broadcast_in_dim3A_249, %select_n3A_234 : vector<16xi1>, vector<16xi32>
      %eq3A_251 = arith.constant 6 : i32
      %eq3A_252 = vector.broadcast %eq3A_251 : i32 to vector<16xi32>
      %eq3A_253 = arith.cmpi eq, %iota3A, %eq3A_252 : vector<16xi32>
      %get3A_254 = arith.constant 22 : i32
      %get3A_255 = arith.index_cast %get3A_254 : i32 to index
      %get3A_256 = memref.load %arg8[%get3A_255] : memref<48xi32, #tpu.memory_space<smem>>
      %broadcast_in_dim3A_257 = vector.broadcast %get3A_256 : i32 to vector<16xi32>
      %select_n3A_258 = arith.select %eq3A_253, %broadcast_in_dim3A_257, %select_n3A_242 : vector<16xi1>, vector<16xi32>
      %eq3A_259 = arith.constant 7 : i32
      %eq3A_260 = vector.broadcast %eq3A_259 : i32 to vector<16xi32>
      %eq3A_261 = arith.cmpi eq, %iota3A, %eq3A_260 : vector<16xi32>
      %get3A_262 = arith.constant 7 : i32
      %get3A_263 = arith.index_cast %get3A_262 : i32 to index
      %get3A_264 = memref.load %arg8[%get3A_263] : memref<48xi32, #tpu.memory_space<smem>>
      %broadcast_in_dim3A_265 = vector.broadcast %get3A_264 : i32 to vector<16xi32>
      %select_n3A_266 = arith.select %eq3A_261, %broadcast_in_dim3A_265, %select_n3A_250 : vector<16xi1>, vector<16xi32>
      %eq3A_267 = arith.constant 7 : i32
      %eq3A_268 = vector.broadcast %eq3A_267 : i32 to vector<16xi32>
      %eq3A_269 = arith.cmpi eq, %iota3A, %eq3A_268 : vector<16xi32>
      %get3A_270 = arith.constant 23 : i32
      %get3A_271 = arith.index_cast %get3A_270 : i32 to index
      %get3A_272 = memref.load %arg8[%get3A_271] : memref<48xi32, #tpu.memory_space<smem>>
      %broadcast_in_dim3A_273 = vector.broadcast %get3A_272 : i32 to vector<16xi32>
      %select_n3A_274 = arith.select %eq3A_269, %broadcast_in_dim3A_273, %select_n3A_258 : vector<16xi1>, vector<16xi32>
      %eq3A_275 = arith.constant 8 : i32
      %eq3A_276 = vector.broadcast %eq3A_275 : i32 to vector<16xi32>
      %eq3A_277 = arith.cmpi eq, %iota3A, %eq3A_276 : vector<16xi32>
      %get3A_278 = arith.constant 8 : i32
      %get3A_279 = arith.index_cast %get3A_278 : i32 to index
      %get3A_280 = memref.load %arg8[%get3A_279] : memref<48xi32, #tpu.memory_space<smem>>
      %broadcast_in_dim3A_281 = vector.broadcast %get3A_280 : i32 to vector<16xi32>
      %select_n3A_282 = arith.select %eq3A_277, %broadcast_in_dim3A_281, %select_n3A_266 : vector<16xi1>, vector<16xi32>
      %eq3A_283 = arith.constant 8 : i32
      %eq3A_284 = vector.broadcast %eq3A_283 : i32 to vector<16xi32>
      %eq3A_285 = arith.cmpi eq, %iota3A, %eq3A_284 : vector<16xi32>
      %get3A_286 = arith.constant 24 : i32
      %get3A_287 = arith.index_cast %get3A_286 : i32 to index
      %get3A_288 = memref.load %arg8[%get3A_287] : memref<48xi32, #tpu.memory_space<smem>>
      %broadcast_in_dim3A_289 = vector.broadcast %get3A_288 : i32 to vector<16xi32>
      %select_n3A_290 = arith.select %eq3A_285, %broadcast_in_dim3A_289, %select_n3A_274 : vector<16xi1>, vector<16xi32>
      %eq3A_291 = arith.constant 9 : i32
      %eq3A_292 = vector.broadcast %eq3A_291 : i32 to vector<16xi32>
      %eq3A_293 = arith.cmpi eq, %iota3A, %eq3A_292 : vector<16xi32>
      %get3A_294 = arith.constant 9 : i32
      %get3A_295 = arith.index_cast %get3A_294 : i32 to index
      %get3A_296 = memref.load %arg8[%get3A_295] : memref<48xi32, #tpu.memory_space<smem>>
      %broadcast_in_dim3A_297 = vector.broadcast %get3A_296 : i32 to vector<16xi32>
      %select_n3A_298 = arith.select %eq3A_293, %broadcast_in_dim3A_297, %select_n3A_282 : vector<16xi1>, vector<16xi32>
      %eq3A_299 = arith.constant 9 : i32
      %eq3A_300 = vector.broadcast %eq3A_299 : i32 to vector<16xi32>
      %eq3A_301 = arith.cmpi eq, %iota3A, %eq3A_300 : vector<16xi32>
      %get3A_302 = arith.constant 25 : i32
      %get3A_303 = arith.index_cast %get3A_302 : i32 to index
      %get3A_304 = memref.load %arg8[%get3A_303] : memref<48xi32, #tpu.memory_space<smem>>
      %broadcast_in_dim3A_305 = vector.broadcast %get3A_304 : i32 to vector<16xi32>
      %select_n3A_306 = arith.select %eq3A_301, %broadcast_in_dim3A_305, %select_n3A_290 : vector<16xi1>, vector<16xi32>
      %eq3A_307 = arith.constant 10 : i32
      %eq3A_308 = vector.broadcast %eq3A_307 : i32 to vector<16xi32>
      %eq3A_309 = arith.cmpi eq, %iota3A, %eq3A_308 : vector<16xi32>
      %get3A_310 = arith.constant 10 : i32
      %get3A_311 = arith.index_cast %get3A_310 : i32 to index
      %get3A_312 = memref.load %arg8[%get3A_311] : memref<48xi32, #tpu.memory_space<smem>>
      %broadcast_in_dim3A_313 = vector.broadcast %get3A_312 : i32 to vector<16xi32>
      %select_n3A_314 = arith.select %eq3A_309, %broadcast_in_dim3A_313, %select_n3A_298 : vector<16xi1>, vector<16xi32>
      %eq3A_315 = arith.constant 10 : i32
      %eq3A_316 = vector.broadcast %eq3A_315 : i32 to vector<16xi32>
      %eq3A_317 = arith.cmpi eq, %iota3A, %eq3A_316 : vector<16xi32>
      %get3A_318 = arith.constant 26 : i32
      %get3A_319 = arith.index_cast %get3A_318 : i32 to index
      %get3A_320 = memref.load %arg8[%get3A_319] : memref<48xi32, #tpu.memory_space<smem>>
      %broadcast_in_dim3A_321 = vector.broadcast %get3A_320 : i32 to vector<16xi32>
      %select_n3A_322 = arith.select %eq3A_317, %broadcast_in_dim3A_321, %select_n3A_306 : vector<16xi1>, vector<16xi32>
      %eq3A_323 = arith.constant 11 : i32
      %eq3A_324 = vector.broadcast %eq3A_323 : i32 to vector<16xi32>
      %eq3A_325 = arith.cmpi eq, %iota3A, %eq3A_324 : vector<16xi32>
      %get3A_326 = arith.constant 11 : i32
      %get3A_327 = arith.index_cast %get3A_326 : i32 to index
      %get3A_328 = memref.load %arg8[%get3A_327] : memref<48xi32, #tpu.memory_space<smem>>
      %broadcast_in_dim3A_329 = vector.broadcast %get3A_328 : i32 to vector<16xi32>
      %select_n3A_330 = arith.select %eq3A_325, %broadcast_in_dim3A_329, %select_n3A_314 : vector<16xi1>, vector<16xi32>
      %eq3A_331 = arith.constant 11 : i32
      %eq3A_332 = vector.broadcast %eq3A_331 : i32 to vector<16xi32>
      %eq3A_333 = arith.cmpi eq, %iota3A, %eq3A_332 : vector<16xi32>
      %get3A_334 = arith.constant 27 : i32
      %get3A_335 = arith.index_cast %get3A_334 : i32 to index
      %get3A_336 = memref.load %arg8[%get3A_335] : memref<48xi32, #tpu.memory_space<smem>>
      %broadcast_in_dim3A_337 = vector.broadcast %get3A_336 : i32 to vector<16xi32>
      %select_n3A_338 = arith.select %eq3A_333, %broadcast_in_dim3A_337, %select_n3A_322 : vector<16xi1>, vector<16xi32>
      %eq3A_339 = arith.constant 12 : i32
      %eq3A_340 = vector.broadcast %eq3A_339 : i32 to vector<16xi32>
      %eq3A_341 = arith.cmpi eq, %iota3A, %eq3A_340 : vector<16xi32>
      %get3A_342 = arith.constant 12 : i32
      %get3A_343 = arith.index_cast %get3A_342 : i32 to index
      %get3A_344 = memref.load %arg8[%get3A_343] : memref<48xi32, #tpu.memory_space<smem>>
      %broadcast_in_dim3A_345 = vector.broadcast %get3A_344 : i32 to vector<16xi32>
      %select_n3A_346 = arith.select %eq3A_341, %broadcast_in_dim3A_345, %select_n3A_330 : vector<16xi1>, vector<16xi32>
      %eq3A_347 = arith.constant 12 : i32
      %eq3A_348 = vector.broadcast %eq3A_347 : i32 to vector<16xi32>
      %eq3A_349 = arith.cmpi eq, %iota3A, %eq3A_348 : vector<16xi32>
      %get3A_350 = arith.constant 28 : i32
      %get3A_351 = arith.index_cast %get3A_350 : i32 to index
      %get3A_352 = memref.load %arg8[%get3A_351] : memref<48xi32, #tpu.memory_space<smem>>
      %broadcast_in_dim3A_353 = vector.broadcast %get3A_352 : i32 to vector<16xi32>
      %select_n3A_354 = arith.select %eq3A_349, %broadcast_in_dim3A_353, %select_n3A_338 : vector<16xi1>, vector<16xi32>
      %eq3A_355 = arith.constant 13 : i32
      %eq3A_356 = vector.broadcast %eq3A_355 : i32 to vector<16xi32>
      %eq3A_357 = arith.cmpi eq, %iota3A, %eq3A_356 : vector<16xi32>
      %get3A_358 = arith.constant 13 : i32
      %get3A_359 = arith.index_cast %get3A_358 : i32 to index
      %get3A_360 = memref.load %arg8[%get3A_359] : memref<48xi32, #tpu.memory_space<smem>>
      %broadcast_in_dim3A_361 = vector.broadcast %get3A_360 : i32 to vector<16xi32>
      %select_n3A_362 = arith.select %eq3A_357, %broadcast_in_dim3A_361, %select_n3A_346 : vector<16xi1>, vector<16xi32>
      %eq3A_363 = arith.constant 13 : i32
      %eq3A_364 = vector.broadcast %eq3A_363 : i32 to vector<16xi32>
      %eq3A_365 = arith.cmpi eq, %iota3A, %eq3A_364 : vector<16xi32>
      %get3A_366 = arith.constant 29 : i32
      %get3A_367 = arith.index_cast %get3A_366 : i32 to index
      %get3A_368 = memref.load %arg8[%get3A_367] : memref<48xi32, #tpu.memory_space<smem>>
      %broadcast_in_dim3A_369 = vector.broadcast %get3A_368 : i32 to vector<16xi32>
      %select_n3A_370 = arith.select %eq3A_365, %broadcast_in_dim3A_369, %select_n3A_354 : vector<16xi1>, vector<16xi32>
      %eq3A_371 = arith.constant 14 : i32
      %eq3A_372 = vector.broadcast %eq3A_371 : i32 to vector<16xi32>
      %eq3A_373 = arith.cmpi eq, %iota3A, %eq3A_372 : vector<16xi32>
      %get3A_374 = arith.constant 14 : i32
      %get3A_375 = arith.index_cast %get3A_374 : i32 to index
      %get3A_376 = memref.load %arg8[%get3A_375] : memref<48xi32, #tpu.memory_space<smem>>
      %broadcast_in_dim3A_377 = vector.broadcast %get3A_376 : i32 to vector<16xi32>
      %select_n3A_378 = arith.select %eq3A_373, %broadcast_in_dim3A_377, %select_n3A_362 : vector<16xi1>, vector<16xi32>
      %eq3A_379 = arith.constant 14 : i32
      %eq3A_380 = vector.broadcast %eq3A_379 : i32 to vector<16xi32>
      %eq3A_381 = arith.cmpi eq, %iota3A, %eq3A_380 : vector<16xi32>
      %get3A_382 = arith.constant 30 : i32
      %get3A_383 = arith.index_cast %get3A_382 : i32 to index
      %get3A_384 = memref.load %arg8[%get3A_383] : memref<48xi32, #tpu.memory_space<smem>>
      %broadcast_in_dim3A_385 = vector.broadcast %get3A_384 : i32 to vector<16xi32>
      %select_n3A_386 = arith.select %eq3A_381, %broadcast_in_dim3A_385, %select_n3A_370 : vector<16xi1>, vector<16xi32>
      %eq3A_387 = arith.constant 15 : i32
      %eq3A_388 = vector.broadcast %eq3A_387 : i32 to vector<16xi32>
      %eq3A_389 = arith.cmpi eq, %iota3A, %eq3A_388 : vector<16xi32>
      %get3A_390 = arith.constant 15 : i32
      %get3A_391 = arith.index_cast %get3A_390 : i32 to index
      %get3A_392 = memref.load %arg8[%get3A_391] : memref<48xi32, #tpu.memory_space<smem>>
      %broadcast_in_dim3A_393 = vector.broadcast %get3A_392 : i32 to vector<16xi32>
      %select_n3A_394 = arith.select %eq3A_389, %broadcast_in_dim3A_393, %select_n3A_378 : vector<16xi1>, vector<16xi32>
      %eq3A_395 = arith.constant 15 : i32
      %eq3A_396 = vector.broadcast %eq3A_395 : i32 to vector<16xi32>
      %eq3A_397 = arith.cmpi eq, %iota3A, %eq3A_396 : vector<16xi32>
      %get3A_398 = arith.constant 31 : i32
      %get3A_399 = arith.index_cast %get3A_398 : i32 to index
      %get3A_400 = memref.load %arg8[%get3A_399] : memref<48xi32, #tpu.memory_space<smem>>
      %broadcast_in_dim3A_401 = vector.broadcast %get3A_400 : i32 to vector<16xi32>
      %select_n3A_402 = arith.select %eq3A_397, %broadcast_in_dim3A_401, %select_n3A_386 : vector<16xi1>, vector<16xi32>
      %mul3A_403 = arith.constant 32 : i32
      %mul3A_404 = arith.muli %scan3A_139, %mul3A_403 : i32
      %swap3A_405 = arith.index_cast %mul3A_404 : i32 to index
      %swap3A_406 = tpu.vector_load %arg5[%swap3A_405] {strides = array<i32>} : memref<4096xi32, #tpu.memory_space<vmem>>, vector<16xi32>,
      %swap3A_407 = vector.shape_cast %swap3A_406 : vector<16xi32> to vector<16xi32>
      %swap3A_408 = vector.shape_cast %select_n3A_394 : vector<16xi32> to vector<16xi32>
      tpu.vector_store %arg5[%swap3A_405], %swap3A_408 {strides = array<i32>} : memref<4096xi32, #tpu.memory_space<vmem>>, vector<16xi32>,
      %mul3A_409 = arith.constant 32 : i32
      %mul3A_410 = arith.muli %scan3A_139, %mul3A_409 : i32
      %add3A_411 = arith.constant 16 : i32
      %add3A_412 = arith.addi %mul3A_410, %add3A_411 : i32
      %swap3A_413 = arith.index_cast %add3A_412 : i32 to index
      %swap3A_414 = tpu.vector_load %arg5[%swap3A_413] {strides = array<i32>} : memref<4096xi32, #tpu.memory_space<vmem>>, vector<16xi32>,
      %swap3A_415 = vector.shape_cast %swap3A_414 : vector<16xi32> to vector<16xi32>
      %swap3A_416 = vector.shape_cast %select_n3A_402 : vector<16xi32> to vector<16xi32>
      tpu.vector_store %arg5[%swap3A_413], %swap3A_416 {strides = array<i32>} : memref<4096xi32, #tpu.memory_space<vmem>>, vector<16xi32>,
    }
    %scan3A_136 = arith.constant 128 : i32
    %mul3A_137 = arith.constant 32 : i32
    %mul3A_138 = arith.muli %mul3A_2, %mul3A_137 : i32
    "tpu.region"() ({
      %run_scoped3A = tpu.sem_alloc : memref<!tpu.dma_semaphore, #tpu.memory_space<semaphore_mem>>
      %dma_start3A = tpu.memref_slice %arg3[%mul3A_138] : memref<131072xi32, #tpu.memory_space<hbm>> -> memref<4096xi32, #tpu.memory_space<hbm>>
      %dma_start3A_139 = tpu.memref_slice %arg3[%mul3A_138] : memref<131072xi32, #tpu.memory_space<hbm>> -> memref<4096xi32, #tpu.memory_space<hbm>>
      tpu.enqueue_dma source(%arg5 : memref<4096xi32, #tpu.memory_space<vmem>>) target(%dma_start3A_139 : memref<4096xi32, #tpu.memory_space<hbm>>) target_semaphore(%run_scoped3A : memref<!tpu.dma_semaphore, #tpu.memory_space<semaphore_mem>>)
      %dma_wait3A = tpu.memref_slice %arg3[%mul3A_138] : memref<131072xi32, #tpu.memory_space<hbm>> -> memref<4096xi32, #tpu.memory_space<hbm>>
      %dma_wait3A_140 = tpu.memref_slice %arg3[%mul3A_138] : memref<131072xi32, #tpu.memory_space<hbm>> -> memref<4096xi32, #tpu.memory_space<hbm>>
      tpu.wait_dma2 semaphore(%run_scoped3A : memref<!tpu.dma_semaphore, #tpu.memory_space<semaphore_mem>>) src(%arg5 : memref<4096xi32, #tpu.memory_space<vmem>>) dst(%dma_wait3A_140 : memref<4096xi32, #tpu.memory_space<hbm>>)
      tpu.yield
    }) : () -> ()
    return
  }
}

#map = affine_map<(d0, d1) -> (0, 0)>
#map1 = affine_map<(d0, d1) -> (0)>
module attributes {stable_mosaic.version = 14 : i64} {
  func.func @k(%arg0: i32, %arg1: i32, %arg2: memref<32768x128xf32, #tpu.memory_space<hbm>>, %arg3: memref<131072xi32, #tpu.memory_space<hbm>>, %arg4: memref<131072x128xf32, #tpu.memory_space<hbm>>, %arg5: memref<128xi32, #tpu.memory_space<vmem>>, %arg6: memref<128x128xf32, #tpu.memory_space<vmem>>, %arg7: memref<!tpu.dma_semaphore, #tpu.memory_space<semaphore_mem>>) attributes {dimension_semantics = [#tpu.dimension_semantics<core_parallel>, #tpu.dimension_semantics<subcore_parallel>], iteration_bounds = array<i64: 2, 16>, scalar_prefetch = 0 : i64, scratch_operands = 3 : i64, tpu.core_type = #tpu.core_type<sc_vector_subcore>, window_params = [{transform_indices = #map}, {transform_indices = #map1}, {transform_indices = #map}]} {
    %mul3A = arith.constant 2 : i32
    %mul3A_0 = arith.muli %arg1, %mul3A : i32
    %add3A = arith.addi %mul3A_0, %arg0 : i32
    %mul3A_1 = arith.constant 4096 : i32
    %mul3A_2 = arith.muli %add3A, %mul3A_1 : i32
    %scan3A = arith.constant 0 : i32
    %scan3A_3 = arith.constant 0 : i32
    %scan3A_4 = arith.constant 32 : i32
    %scan3A_5 = arith.addi %scan3A_3, %scan3A_4 : i32
    %scan3A_6 = arith.constant 1 : i32
    scf.for %scan3A_8 = %scan3A_3 to %scan3A_5 step %scan3A_6  : i32 {
      %mul3A_9 = arith.constant 128 : i32
      %mul3A_10 = arith.muli %scan3A_8, %mul3A_9 : i32
      %add3A_11 = arith.addi %mul3A_2, %mul3A_10 : i32
      "tpu.region"() ({
        %run_scoped3A = tpu.sem_alloc : memref<!tpu.dma_semaphore, #tpu.memory_space<semaphore_mem>>
        %dma_start3A_16 = tpu.memref_slice %arg3[%add3A_11] : memref<131072xi32, #tpu.memory_space<hbm>> -> memref<128xi32, #tpu.memory_space<hbm>>
        %dma_start3A_17 = tpu.memref_slice %arg3[%add3A_11] : memref<131072xi32, #tpu.memory_space<hbm>> -> memref<128xi32, #tpu.memory_space<hbm>>
        tpu.enqueue_dma source(%dma_start3A_17 : memref<128xi32, #tpu.memory_space<hbm>>) target(%arg5 : memref<128xi32, #tpu.memory_space<vmem>>) target_semaphore(%run_scoped3A : memref<!tpu.dma_semaphore, #tpu.memory_space<semaphore_mem>>)
        %dma_wait3A_18 = tpu.memref_slice %arg3[%add3A_11] : memref<131072xi32, #tpu.memory_space<hbm>> -> memref<128xi32, #tpu.memory_space<hbm>>
        %dma_wait3A_19 = tpu.memref_slice %arg3[%add3A_11] : memref<131072xi32, #tpu.memory_space<hbm>> -> memref<128xi32, #tpu.memory_space<hbm>>
        tpu.wait_dma2 semaphore(%run_scoped3A : memref<!tpu.dma_semaphore, #tpu.memory_space<semaphore_mem>>) src(%dma_wait3A_19 : memref<128xi32, #tpu.memory_space<hbm>>) dst(%arg5 : memref<128xi32, #tpu.memory_space<vmem>>)
        tpu.yield
      }) : () -> ()
      %dma_start3A = arith.constant 0 : i32
      %dma_start3A_12 = arith.constant 0 : i32
      %dma_start3A_13 = tpu.memref_slice %arg2[%dma_start3A, %dma_start3A_12] : memref<32768x128xf32, #tpu.memory_space<hbm>> -> memref<32768x128xf32, #tpu.memory_space<hbm>>
      tpu.enqueue_indirect_dma source(%dma_start3A_13 : memref<32768x128xf32, #tpu.memory_space<hbm>>) target(%arg6 : memref<128x128xf32, #tpu.memory_space<vmem>>) offsets(%arg5 : memref<128xi32, #tpu.memory_space<vmem>>) semaphore(%arg7 : memref<!tpu.dma_semaphore, #tpu.memory_space<semaphore_mem>>)
      %dma_wait3A = arith.constant 0 : i32
      %dma_wait3A_14 = arith.constant 0 : i32
      %dma_wait3A_15 = tpu.memref_slice %arg2[%dma_wait3A, %dma_wait3A_14] : memref<32768x128xf32, #tpu.memory_space<hbm>> -> memref<32768x128xf32, #tpu.memory_space<hbm>>
      tpu.wait_indirect_dma semaphore(%arg7 : memref<!tpu.dma_semaphore, #tpu.memory_space<semaphore_mem>>) src(%dma_wait3A_15 : memref<32768x128xf32, #tpu.memory_space<hbm>>) dst(%arg6 : memref<128x128xf32, #tpu.memory_space<vmem>>)
      "tpu.region"() ({
        %run_scoped3A = tpu.sem_alloc : memref<!tpu.dma_semaphore, #tpu.memory_space<semaphore_mem>>
        %dma_start3A_16 = arith.constant 0 : i32
        %dma_start3A_17 = tpu.memref_slice %arg4[%add3A_11, %dma_start3A_16] : memref<131072x128xf32, #tpu.memory_space<hbm>> -> memref<128x128xf32, #tpu.memory_space<hbm>>
        %dma_start3A_18 = arith.constant 0 : i32
        %dma_start3A_19 = tpu.memref_slice %arg4[%add3A_11, %dma_start3A_18] : memref<131072x128xf32, #tpu.memory_space<hbm>> -> memref<128x128xf32, #tpu.memory_space<hbm>>
        tpu.enqueue_dma source(%arg6 : memref<128x128xf32, #tpu.memory_space<vmem>>) target(%dma_start3A_19 : memref<128x128xf32, #tpu.memory_space<hbm>>) target_semaphore(%run_scoped3A : memref<!tpu.dma_semaphore, #tpu.memory_space<semaphore_mem>>)
        %dma_wait3A_20 = arith.constant 0 : i32
        %dma_wait3A_21 = tpu.memref_slice %arg4[%add3A_11, %dma_wait3A_20] : memref<131072x128xf32, #tpu.memory_space<hbm>> -> memref<128x128xf32, #tpu.memory_space<hbm>>
        %dma_wait3A_22 = arith.constant 0 : i32
        %dma_wait3A_23 = tpu.memref_slice %arg4[%add3A_11, %dma_wait3A_22] : memref<131072x128xf32, #tpu.memory_space<hbm>> -> memref<128x128xf32, #tpu.memory_space<hbm>>
        tpu.wait_dma2 semaphore(%run_scoped3A : memref<!tpu.dma_semaphore, #tpu.memory_space<semaphore_mem>>) src(%arg6 : memref<128x128xf32, #tpu.memory_space<vmem>>) dst(%dma_wait3A_23 : memref<128x128xf32, #tpu.memory_space<hbm>>)
        tpu.yield
      }) : () -> ()
    }
    %scan3A_7 = arith.constant 32 : i32
    return
  }
}

module attributes {stable_mosaic.version = 14 : i64} {
  func.func @_fps_kernel(%arg0: memref<8x4096xf32, #tpu.memory_space<vmem>>, %arg1: memref<8x4096xf32, #tpu.memory_space<vmem>>, %arg2: memref<8x4096xf32, #tpu.memory_space<vmem>>, %arg3: memref<8x1xi32, #tpu.memory_space<vmem>>, %arg4: memref<512x8xi32, #tpu.memory_space<vmem>>, %arg5: memref<512x8xf32, #tpu.memory_space<vmem>>, %arg6: memref<512x8xf32, #tpu.memory_space<vmem>>, %arg7: memref<512x8xf32, #tpu.memory_space<vmem>>) attributes {dimension_semantics = [], scalar_prefetch = 0 : i64, scratch_operands = 0 : i64, tpu.core_type = #tpu.core_type<tc>} {
    %get3A = arith.constant 0 : index
    %get3A_0 = arith.constant 0 : index
    %get3A_1 = vector.load %arg0[%get3A, %get3A_0] : memref<8x4096xf32, #tpu.memory_space<vmem>>, vector<8x4096xf32>
    %get3A_2 = arith.constant 0 : index
    %get3A_3 = arith.constant 0 : index
    %get3A_4 = vector.load %arg1[%get3A_2, %get3A_3] : memref<8x4096xf32, #tpu.memory_space<vmem>>, vector<8x4096xf32>
    %get3A_5 = arith.constant 0 : index
    %get3A_6 = arith.constant 0 : index
    %get3A_7 = vector.load %arg2[%get3A_5, %get3A_6] : memref<8x4096xf32, #tpu.memory_space<vmem>>, vector<8x4096xf32>
    %iota3A = tpu.iota {dimensions = array<i32: 1>} : vector<8x4096xi32>
    %broadcast_in_dim3A = arith.constant 1.000000e+10 : f32
    %broadcast_in_dim3A_8 = vector.broadcast %broadcast_in_dim3A : f32 to vector<8x4096xf32>
    %get3A_9 = arith.constant 0 : index
    %get3A_10 = arith.constant 0 : index
    %get3A_11 = vector.load %arg3[%get3A_9, %get3A_10] : memref<8x1xi32, #tpu.memory_space<vmem>>, vector<8x1xi32>
    %scan3A = arith.constant 0 : i32
    %scan3A_12 = arith.constant 512 : i32
    %scan3A_13 = arith.addi %scan3A, %scan3A_12 : i32
    %scan3A_14 = arith.constant 1 : i32
    %scan3A_15:2 = scf.for %scan3A_17 = %scan3A to %scan3A_13 step %scan3A_14 iter_args(%scan3A_18 = %broadcast_in_dim3A_8, %scan3A_19 = %get3A_11) -> (vector<8x4096xf32>, vector<8x1xi32>)  : i32 {
      %eq3A = vector.broadcast %scan3A_19 : vector<8x1xi32> to vector<8x4096xi32>
      %eq3A_20 = arith.cmpi eq, %iota3A, %eq3A : vector<8x4096xi32>
      %jit3A = arith.constant 0.000000e+00 : f32
      %broadcast_in_dim3A_21 = vector.broadcast %jit3A : f32 to vector<8x4096xf32>
      %select_n3A = arith.select %eq3A_20, %get3A_1, %broadcast_in_dim3A_21 : vector<8x4096xi1>, vector<8x4096xf32>
      %reduce_sum3A = arith.constant dense<0.000000e+00> : vector<8xf32>
      %reduce_sum3A_22 = vector.multi_reduction <add>, %select_n3A, %reduce_sum3A [1] : vector<8x4096xf32> to vector<8xf32>
      %broadcast_in_dim3A_23 = vector.shape_cast %reduce_sum3A_22 : vector<8xf32> to vector<8x1xf32>
      %jit3A_24 = arith.constant 0.000000e+00 : f32
      %broadcast_in_dim3A_25 = vector.broadcast %jit3A_24 : f32 to vector<8x4096xf32>
      %select_n3A_26 = arith.select %eq3A_20, %get3A_4, %broadcast_in_dim3A_25 : vector<8x4096xi1>, vector<8x4096xf32>
      %reduce_sum3A_27 = arith.constant dense<0.000000e+00> : vector<8xf32>
      %reduce_sum3A_28 = vector.multi_reduction <add>, %select_n3A_26, %reduce_sum3A_27 [1] : vector<8x4096xf32> to vector<8xf32>
      %broadcast_in_dim3A_29 = vector.shape_cast %reduce_sum3A_28 : vector<8xf32> to vector<8x1xf32>
      %jit3A_30 = arith.constant 0.000000e+00 : f32
      %broadcast_in_dim3A_31 = vector.broadcast %jit3A_30 : f32 to vector<8x4096xf32>
      %select_n3A_32 = arith.select %eq3A_20, %get3A_7, %broadcast_in_dim3A_31 : vector<8x4096xi1>, vector<8x4096xf32>
      %reduce_sum3A_33 = arith.constant dense<0.000000e+00> : vector<8xf32>
      %reduce_sum3A_34 = vector.multi_reduction <add>, %select_n3A_32, %reduce_sum3A_33 [1] : vector<8x4096xf32> to vector<8xf32>
      %broadcast_in_dim3A_35 = vector.shape_cast %reduce_sum3A_34 : vector<8xf32> to vector<8x1xf32>
      %transpose3A = tpu.transpose %scan3A_19, [1, 0] : vector<8x1xi32> -> vector<1x8xi32>
      %swap3A = arith.index_cast %scan3A_17 : i32 to index
      %swap3A_36 = arith.constant 0 : index
      %swap3A_37 = vector.load %arg4[%swap3A, %swap3A_36] : memref<512x8xi32, #tpu.memory_space<vmem>>, vector<1x8xi32>
      tpu.vector_store %arg4[%swap3A, %swap3A_36], %transpose3A {strides = array<i32>} : memref<512x8xi32, #tpu.memory_space<vmem>>, vector<1x8xi32>,
      %transpose3A_38 = tpu.transpose %broadcast_in_dim3A_23, [1, 0] : vector<8x1xf32> -> vector<1x8xf32>
      %swap3A_39 = arith.index_cast %scan3A_17 : i32 to index
      %swap3A_40 = arith.constant 0 : index
      %swap3A_41 = vector.load %arg5[%swap3A_39, %swap3A_40] : memref<512x8xf32, #tpu.memory_space<vmem>>, vector<1x8xf32>
      tpu.vector_store %arg5[%swap3A_39, %swap3A_40], %transpose3A_38 {strides = array<i32>} : memref<512x8xf32, #tpu.memory_space<vmem>>, vector<1x8xf32>,
      %transpose3A_42 = tpu.transpose %broadcast_in_dim3A_29, [1, 0] : vector<8x1xf32> -> vector<1x8xf32>
      %swap3A_43 = arith.index_cast %scan3A_17 : i32 to index
      %swap3A_44 = arith.constant 0 : index
      %swap3A_45 = vector.load %arg6[%swap3A_43, %swap3A_44] : memref<512x8xf32, #tpu.memory_space<vmem>>, vector<1x8xf32>
      tpu.vector_store %arg6[%swap3A_43, %swap3A_44], %transpose3A_42 {strides = array<i32>} : memref<512x8xf32, #tpu.memory_space<vmem>>, vector<1x8xf32>,
      %transpose3A_46 = tpu.transpose %broadcast_in_dim3A_35, [1, 0] : vector<8x1xf32> -> vector<1x8xf32>
      %swap3A_47 = arith.index_cast %scan3A_17 : i32 to index
      %swap3A_48 = arith.constant 0 : index
      %swap3A_49 = vector.load %arg7[%swap3A_47, %swap3A_48] : memref<512x8xf32, #tpu.memory_space<vmem>>, vector<1x8xf32>
      tpu.vector_store %arg7[%swap3A_47, %swap3A_48], %transpose3A_46 {strides = array<i32>} : memref<512x8xf32, #tpu.memory_space<vmem>>, vector<1x8xf32>,
      %sub3A = vector.broadcast %broadcast_in_dim3A_23 : vector<8x1xf32> to vector<8x4096xf32>
      %sub3A_50 = arith.subf %get3A_1, %sub3A : vector<8x4096xf32>
      %sub3A_51 = vector.broadcast %broadcast_in_dim3A_29 : vector<8x1xf32> to vector<8x4096xf32>
      %sub3A_52 = arith.subf %get3A_4, %sub3A_51 : vector<8x4096xf32>
      %sub3A_53 = vector.broadcast %broadcast_in_dim3A_35 : vector<8x1xf32> to vector<8x4096xf32>
      %sub3A_54 = arith.subf %get3A_7, %sub3A_53 : vector<8x4096xf32>
      %mul3A = arith.mulf %sub3A_50, %sub3A_50 : vector<8x4096xf32>
      %mul3A_55 = arith.mulf %sub3A_52, %sub3A_52 : vector<8x4096xf32>
      %add3A = arith.addf %mul3A, %mul3A_55 : vector<8x4096xf32>
      %mul3A_56 = arith.mulf %sub3A_54, %sub3A_54 : vector<8x4096xf32>
      %add3A_57 = arith.addf %add3A, %mul3A_56 : vector<8x4096xf32>
      %min3A = arith.minimumf %scan3A_18, %add3A_57 : vector<8x4096xf32>
      %reduce_max3A = arith.constant dense<0xFF800000> : vector<8xf32>
      %reduce_max3A_58 = vector.multi_reduction <maximumf>, %min3A, %reduce_max3A [1] : vector<8x4096xf32> to vector<8xf32>
      %broadcast_in_dim3A_59 = vector.shape_cast %reduce_max3A_58 : vector<8xf32> to vector<8x1xf32>
      %eq3A_60 = vector.broadcast %broadcast_in_dim3A_59 : vector<8x1xf32> to vector<8x4096xf32>
      %eq3A_61 = arith.cmpf oeq, %min3A, %eq3A_60 : vector<8x4096xf32>
      %jit3A_62 = arith.constant 4096 : i32
      %broadcast_in_dim3A_63 = vector.broadcast %jit3A_62 : i32 to vector<8x4096xi32>
      %select_n3A_64 = arith.select %eq3A_61, %iota3A, %broadcast_in_dim3A_63 : vector<8x4096xi1>, vector<8x4096xi32>
      %reduce_min3A = arith.constant dense<2147483647> : vector<8xi32>
      %reduce_min3A_65 = vector.multi_reduction <minsi>, %select_n3A_64, %reduce_min3A [1] : vector<8x4096xi32> to vector<8xi32>
      %broadcast_in_dim3A_66 = vector.shape_cast %reduce_min3A_65 : vector<8xi32> to vector<8x1xi32>
      scf.yield %min3A, %broadcast_in_dim3A_66 : vector<8x4096xf32>, vector<8x1xi32>
    }
    %scan3A_16 = arith.constant 512 : i32
    return
  }
}

module attributes {stable_mosaic.version = 14 : i64} {
  func.func @_knn_kernel(%arg0: i32, %arg1: i32, %arg2: memref<1x256x3xf32, #tpu.memory_space<vmem>>, %arg3: memref<1x3x4096xf32, #tpu.memory_space<vmem>>, %arg4: memref<4096x512xf32, #tpu.memory_space<vmem>>, %arg5: memref<512x32xf32, #tpu.memory_space<vmem>>, %arg6: memref<1x256x544xi32, #tpu.memory_space<vmem>>) attributes {dimension_semantics = [#tpu.dimension_semantics<arbitrary>, #tpu.dimension_semantics<arbitrary>], iteration_bounds = array<i64: 8, 2>, scalar_prefetch = 0 : i64, scratch_operands = 0 : i64, tpu.core_type = #tpu.core_type<tc>, window_params = [{transform_indices = @transform_0, window_bounds = array<i64: 1, 256, 3>}, {transform_indices = @transform_1, window_bounds = array<i64: 1, 3, 4096>}, {pipeline_mode = #tpu.pipeline_mode<synchronous>, transform_indices = @transform_2, window_bounds = array<i64: 4096, 512>}, {pipeline_mode = #tpu.pipeline_mode<synchronous>, transform_indices = @transform_3, window_bounds = array<i64: 512, 32>}, {transform_indices = @transform_4, window_bounds = array<i64: 1, 256, 544>}]} {
    %get3A = arith.constant 0 : index
    %get3A_0 = arith.constant 0 : index
    %get3A_1 = arith.constant 0 : index
    %get3A_2 = vector.load %arg3[%get3A, %get3A_0, %get3A_1] : memref<1x3x4096xf32, #tpu.memory_space<vmem>>, vector<1x3x4096xf32>
    %get3A_3 = vector.shape_cast %get3A_2 : vector<1x3x4096xf32> to vector<3x4096xf32>
    %get3A_4 = arith.constant 0 : index
    %get3A_5 = arith.constant 0 : index
    %get3A_6 = arith.constant 0 : index
    %get3A_7 = vector.load %arg2[%get3A_4, %get3A_5, %get3A_6] : memref<1x256x3xf32, #tpu.memory_space<vmem>>, vector<1x256x3xf32>
    %get3A_8 = vector.shape_cast %get3A_7 : vector<1x256x3xf32> to vector<256x3xf32>
    %mul3A = arith.mulf %get3A_3, %get3A_3 : vector<3x4096xf32>
    %reduce_sum3A = arith.constant dense<0.000000e+00> : vector<4096xf32>
    %reduce_sum3A_9 = vector.multi_reduction <add>, %mul3A, %reduce_sum3A [0] : vector<3x4096xf32> to vector<4096xf32>
    %broadcast_in_dim3A = vector.shape_cast %reduce_sum3A_9 : vector<4096xf32> to vector<1x4096xf32>
    %dot_general3A = arith.constant dense<0.000000e+00> : vector<256x4096xf32>
    %dot_general3A_10 = tpu.matmul %get3A_8, %get3A_3, %dot_general3A {dimension_numbers = #tpu.dot_dimension_numbers<[1], [0], [0], [1], [0, 0, 1, 1], [], []>, transpose_lhs_hint = false} : vector<256x3xf32>, vector<3x4096xf32>, vector<256x4096xf32> -> vector<256x4096xf32>
    %mul3A_11 = arith.constant 2.000000e+00 : f32
    %mul3A_12 = vector.broadcast %mul3A_11 : f32 to vector<256x4096xf32>
    %mul3A_13 = arith.mulf %mul3A_12, %dot_general3A_10 : vector<256x4096xf32>
    %sub3A = vector.broadcast %broadcast_in_dim3A : vector<1x4096xf32> to vector<256x4096xf32>
    %sub3A_14 = arith.subf %sub3A, %mul3A_13 : vector<256x4096xf32>
    %bitcast_convert_type3A = tpu.bitcast %sub3A_14 : vector<256x4096xf32> -> vector<256x4096xi32>
    %ge3A = arith.constant 0 : i32
    %ge3A_15 = vector.broadcast %ge3A : i32 to vector<256x4096xi32>
    %ge3A_16 = arith.cmpi sge, %bitcast_convert_type3A, %ge3A_15 : vector<256x4096xi32>
    %sub3A_17 = arith.constant 2147483647 : i32
    %sub3A_18 = vector.broadcast %sub3A_17 : i32 to vector<256x4096xi32>
    %sub3A_19 = arith.subi %sub3A_18, %bitcast_convert_type3A : vector<256x4096xi32>
    %select_n3A = arith.select %ge3A_16, %bitcast_convert_type3A, %sub3A_19 : vector<256x4096xi1>, vector<256x4096xi32>
    %broadcast_in_dim3A_20 = arith.constant 0 : i32
    %broadcast_in_dim3A_21 = vector.broadcast %broadcast_in_dim3A_20 : i32 to vector<256x1xi32>
    %scan3A = arith.constant -2147483648 : i32
    %scan3A_22 = arith.constant 0 : i32
    %scan3A_23 = arith.constant 32 : i32
    %scan3A_24 = arith.addi %scan3A_22, %scan3A_23 : i32
    %scan3A_25 = arith.constant 1 : i32
    %scan3A_26 = scf.for %scan3A_67 = %scan3A_22 to %scan3A_24 step %scan3A_25 iter_args(%scan3A_68 = %broadcast_in_dim3A_21) -> (vector<256x1xi32>)  : i32 {
      %sub3A_69 = arith.constant 31 : i32
      %sub3A_70 = arith.subi %sub3A_69, %scan3A_67 : i32
      %shift_left3A = arith.constant 1 : i32
      %shift_left3A_71 = arith.shli %shift_left3A, %sub3A_70 : i32
      %or3A = vector.broadcast %shift_left3A_71 : i32 to vector<256x1xi32>
      %or3A_72 = arith.ori %scan3A_68, %or3A : vector<256x1xi32>
      %xor3A_73 = vector.broadcast %scan3A : i32 to vector<256x1xi32>
      %xor3A_74 = arith.xori %or3A_72, %xor3A_73 : vector<256x1xi32>
      %lt3A_75 = vector.broadcast %xor3A_74 : vector<256x1xi32> to vector<256x4096xi32>
      %lt3A_76 = arith.cmpi slt, %select_n3A, %lt3A_75 : vector<256x4096xi32>
      %jit3A_77 = arith.constant 1 : i32
      %jit3A_78 = arith.constant 0 : i32
      %broadcast_in_dim3A_79 = vector.broadcast %jit3A_77 : i32 to vector<256x4096xi32>
      %broadcast_in_dim3A_80 = vector.broadcast %jit3A_78 : i32 to vector<256x4096xi32>
      %select_n3A_81 = arith.select %lt3A_76, %broadcast_in_dim3A_79, %broadcast_in_dim3A_80 : vector<256x4096xi1>, vector<256x4096xi32>
      %reduce_sum3A_82 = arith.constant dense<0> : vector<256xi32>
      %reduce_sum3A_83 = vector.multi_reduction <add>, %select_n3A_81, %reduce_sum3A_82 [1] : vector<256x4096xi32> to vector<256xi32>
      %broadcast_in_dim3A_84 = vector.shape_cast %reduce_sum3A_83 : vector<256xi32> to vector<256x1xi32>
      %ge3A_85 = arith.constant 32 : i32
      %ge3A_86 = vector.broadcast %ge3A_85 : i32 to vector<256x1xi32>
      %ge3A_87 = arith.cmpi sge, %broadcast_in_dim3A_84, %ge3A_86 : vector<256x1xi32>
      %or3A_88 = vector.broadcast %shift_left3A_71 : i32 to vector<256x1xi32>
      %or3A_89 = arith.ori %scan3A_68, %or3A_88 : vector<256x1xi32>
      %select_n3A_90 = arith.select %ge3A_87, %scan3A_68, %or3A_89 : vector<256x1xi1>, vector<256x1xi32>
      scf.yield %select_n3A_90 : vector<256x1xi32>
    }
    %scan3A_27 = arith.constant 32 : i32
    %xor3A = arith.constant -2147483648 : i32
    %xor3A_28 = vector.broadcast %xor3A : i32 to vector<256x1xi32>
    %xor3A_29 = arith.xori %scan3A_26, %xor3A_28 : vector<256x1xi32>
    %get3A_30 = arith.constant 0 : index
    %get3A_31 = arith.constant 0 : index
    %get3A_32 = vector.load %arg4[%get3A_30, %get3A_31] : memref<4096x512xf32, #tpu.memory_space<vmem>>, vector<4096x512xf32>
    %lt3A = vector.broadcast %xor3A_29 : vector<256x1xi32> to vector<256x4096xi32>
    %lt3A_33 = arith.cmpi slt, %select_n3A, %lt3A : vector<256x4096xi32>
    %jit3A = arith.constant 1.000000e+00 : f32
    %jit3A_34 = arith.constant 0.000000e+00 : f32
    %broadcast_in_dim3A_35 = vector.broadcast %jit3A : f32 to vector<256x4096xf32>
    %broadcast_in_dim3A_36 = vector.broadcast %jit3A_34 : f32 to vector<256x4096xf32>
    %select_n3A_37 = arith.select %lt3A_33, %broadcast_in_dim3A_35, %broadcast_in_dim3A_36 : vector<256x4096xi1>, vector<256x4096xf32>
    %eq3A = vector.broadcast %xor3A_29 : vector<256x1xi32> to vector<256x4096xi32>
    %eq3A_38 = arith.cmpi eq, %select_n3A, %eq3A : vector<256x4096xi32>
    %jit3A_39 = arith.constant 1.000000e+00 : f32
    %jit3A_40 = arith.constant 0.000000e+00 : f32
    %broadcast_in_dim3A_41 = vector.broadcast %jit3A_39 : f32 to vector<256x4096xf32>
    %broadcast_in_dim3A_42 = vector.broadcast %jit3A_40 : f32 to vector<256x4096xf32>
    %select_n3A_43 = arith.select %eq3A_38, %broadcast_in_dim3A_41, %broadcast_in_dim3A_42 : vector<256x4096xi1>, vector<256x4096xf32>
    %slice3A = vector.extract_strided_slice %get3A_32 {offsets = [0, 0], sizes = [4096, 256], strides = [1, 1]} : vector<4096x512xf32> to vector<4096x256xf32>
    %dot_general3A_44 = arith.constant dense<0.000000e+00> : vector<256x256xf32>
    %dot_general3A_45 = tpu.matmul %select_n3A_37, %slice3A, %dot_general3A_44 {dimension_numbers = #tpu.dot_dimension_numbers<[1], [0], [0], [1], [0, 0, 1, 1], [], []>, transpose_lhs_hint = false} : vector<256x4096xf32>, vector<4096x256xf32>, vector<256x256xf32> -> vector<256x256xf32>
    %slice3A_46 = vector.extract_strided_slice %get3A_32 {offsets = [0, 256], sizes = [4096, 256], strides = [1, 1]} : vector<4096x512xf32> to vector<4096x256xf32>
    %dot_general3A_47 = arith.constant dense<0.000000e+00> : vector<256x256xf32>
    %dot_general3A_48 = tpu.matmul %select_n3A_43, %slice3A_46, %dot_general3A_47 {dimension_numbers = #tpu.dot_dimension_numbers<[1], [0], [0], [1], [0, 0, 1, 1], [], []>, transpose_lhs_hint = false} : vector<256x4096xf32>, vector<4096x256xf32>, vector<256x256xf32> -> vector<256x256xf32>
    %concatenate3A = tpu.concatenate %dot_general3A_45, %dot_general3A_48 in 1 : vector<256x256xf32>, vector<256x256xf32> -> vector<256x512xf32>
    %ne3A = arith.constant 0.000000e+00 : f32
    %ne3A_49 = vector.broadcast %ne3A : f32 to vector<256x512xf32>
    %ne3A_50 = arith.cmpf one, %concatenate3A, %ne3A_49 : vector<256x512xf32>
    %jit3A_51 = arith.constant 1.000000e+00 : f32
    %jit3A_52 = arith.constant 0.000000e+00 : f32
    %broadcast_in_dim3A_53 = vector.broadcast %jit3A_51 : f32 to vector<256x512xf32>
    %broadcast_in_dim3A_54 = vector.broadcast %jit3A_52 : f32 to vector<256x512xf32>
    %select_n3A_55 = arith.select %ne3A_50, %broadcast_in_dim3A_53, %broadcast_in_dim3A_54 : vector<256x512xi1>, vector<256x512xf32>
    %get3A_56 = arith.constant 0 : index
    %get3A_57 = arith.constant 0 : index
    %get3A_58 = vector.load %arg5[%get3A_56, %get3A_57] : memref<512x32xf32, #tpu.memory_space<vmem>>, vector<512x32xf32>
    %dot_general3A_59 = arith.constant dense<0.000000e+00> : vector<256x32xf32>
    %dot_general3A_60 = tpu.matmul %select_n3A_55, %get3A_58, %dot_general3A_59 {dimension_numbers = #tpu.dot_dimension_numbers<[1], [0], [0], [1], [0, 0, 1, 1], [], []>, transpose_lhs_hint = false} : vector<256x512xf32>, vector<512x32xf32>, vector<256x32xf32> -> vector<256x32xf32>
    %concatenate3A_61 = tpu.concatenate %concatenate3A, %dot_general3A_60 in 1 : vector<256x512xf32>, vector<256x32xf32> -> vector<256x544xf32>
    %convert_element_type3A = arith.fptosi %concatenate3A_61 : vector<256x544xf32> to vector<256x544xi32>
    %swap3A = arith.constant 0 : index
    %swap3A_62 = arith.constant 0 : index
    %swap3A_63 = arith.constant 0 : index
    %swap3A_64 = vector.load %arg6[%swap3A, %swap3A_62, %swap3A_63] : memref<1x256x544xi32, #tpu.memory_space<vmem>>, vector<1x256x544xi32>
    %swap3A_65 = vector.shape_cast %swap3A_64 : vector<1x256x544xi32> to vector<256x544xi32>
    %swap3A_66 = vector.shape_cast %convert_element_type3A : vector<256x544xi32> to vector<1x256x544xi32>
    tpu.vector_store %arg6[%swap3A, %swap3A_62, %swap3A_63], %swap3A_66 {strides = array<i32>} : memref<1x256x544xi32, #tpu.memory_space<vmem>>, vector<1x256x544xi32>,
    return
  }
  func.func @transform_0(%arg0: i32, %arg1: i32) -> (i32, i32, i32) {
    %c0_i32 = arith.constant 0 : i32
    %c0_i32_0 = arith.constant 0 : i32
    return %arg0, %arg1, %c0_i32 : i32, i32, i32
  }
  func.func @transform_1(%arg0: i32, %arg1: i32) -> (i32, i32, i32) {
    %c0_i32 = arith.constant 0 : i32
    %c0_i32_0 = arith.constant 0 : i32
    %c0_i32_1 = arith.constant 0 : i32
    return %arg0, %c0_i32, %c0_i32_0 : i32, i32, i32
  }
  func.func @transform_2(%arg0: i32, %arg1: i32) -> (i32, i32) {
    %c0_i32 = arith.constant 0 : i32
    %c0_i32_0 = arith.constant 0 : i32
    %c0_i32_1 = arith.constant 0 : i32
    return %c0_i32, %c0_i32_0 : i32, i32
  }
  func.func @transform_3(%arg0: i32, %arg1: i32) -> (i32, i32) {
    %c0_i32 = arith.constant 0 : i32
    %c0_i32_0 = arith.constant 0 : i32
    %c0_i32_1 = arith.constant 0 : i32
    return %c0_i32, %c0_i32_0 : i32, i32
  }
  func.func @transform_4(%arg0: i32, %arg1: i32) -> (i32, i32, i32) {
    %c0_i32 = arith.constant 0 : i32
    %c0_i32_0 = arith.constant 0 : i32
    return %arg0, %arg1, %c0_i32 : i32, i32, i32
  }
}

module attributes {stable_mosaic.version = 14 : i64} {
  func.func @_pf_kernel(%arg0: i32, %arg1: memref<1x4096x3xf32, #tpu.memory_space<vmem>>, %arg2: memref<1x4096x128xf32, #tpu.memory_space<vmem>>, %arg3: memref<1x512x3xf32, #tpu.memory_space<vmem>>, %arg4: memref<3x128xf32, #tpu.memory_space<vmem>>, %arg5: memref<128x128xf32, #tpu.memory_space<vmem>>, %arg6: memref<1x4096x128xf32, #tpu.memory_space<vmem>>, %arg7: memref<1x512x128xf32, #tpu.memory_space<vmem>>) attributes {dimension_semantics = [#tpu.dimension_semantics<arbitrary>], iteration_bounds = array<i64: 8>, scalar_prefetch = 0 : i64, scratch_operands = 0 : i64, tpu.core_type = #tpu.core_type<tc>, window_params = [{transform_indices = @transform_0, window_bounds = array<i64: 1, 4096, 3>}, {transform_indices = @transform_1, window_bounds = array<i64: 1, 4096, 128>}, {transform_indices = @transform_2, window_bounds = array<i64: 1, 512, 3>}, {pipeline_mode = #tpu.pipeline_mode<synchronous>, transform_indices = @transform_3, window_bounds = array<i64: 3, 128>}, {pipeline_mode = #tpu.pipeline_mode<synchronous>, transform_indices = @transform_4, window_bounds = array<i64: 128, 128>}, {transform_indices = @transform_5, window_bounds = array<i64: 1, 4096, 128>}, {transform_indices = @transform_6, window_bounds = array<i64: 1, 512, 128>}]} {
    %get3A = arith.constant 0 : index
    %get3A_0 = arith.constant 0 : index
    %get3A_1 = arith.constant 0 : index
    %get3A_2 = vector.load %arg1[%get3A, %get3A_0, %get3A_1] : memref<1x4096x3xf32, #tpu.memory_space<vmem>>, vector<1x4096x3xf32>
    %get3A_3 = vector.shape_cast %get3A_2 : vector<1x4096x3xf32> to vector<4096x3xf32>
    %get3A_4 = arith.constant 0 : index
    %get3A_5 = arith.constant 0 : index
    %get3A_6 = arith.constant 0 : index
    %get3A_7 = vector.load %arg2[%get3A_4, %get3A_5, %get3A_6] : memref<1x4096x128xf32, #tpu.memory_space<vmem>>, vector<1x4096x128xf32>
    %get3A_8 = vector.shape_cast %get3A_7 : vector<1x4096x128xf32> to vector<4096x128xf32>
    %get3A_9 = arith.constant 0 : index
    %get3A_10 = arith.constant 0 : index
    %get3A_11 = arith.constant 0 : index
    %get3A_12 = vector.load %arg3[%get3A_9, %get3A_10, %get3A_11] : memref<1x512x3xf32, #tpu.memory_space<vmem>>, vector<1x512x3xf32>
    %get3A_13 = vector.shape_cast %get3A_12 : vector<1x512x3xf32> to vector<512x3xf32>
    %get3A_14 = arith.constant 0 : index
    %get3A_15 = arith.constant 0 : index
    %get3A_16 = vector.load %arg4[%get3A_14, %get3A_15] : memref<3x128xf32, #tpu.memory_space<vmem>>, vector<3x128xf32>
    %get3A_17 = arith.constant 0 : index
    %get3A_18 = arith.constant 0 : index
    %get3A_19 = vector.load %arg5[%get3A_17, %get3A_18] : memref<128x128xf32, #tpu.memory_space<vmem>>, vector<128x128xf32>
    %dot_general3A = arith.constant dense<0.000000e+00> : vector<4096x128xf32>
    %dot_general3A_20 = tpu.matmul %get3A_3, %get3A_16, %dot_general3A {dimension_numbers = #tpu.dot_dimension_numbers<[1], [0], [0], [1], [0, 0, 1, 1], [], []>, transpose_lhs_hint = false} : vector<4096x3xf32>, vector<3x128xf32>, vector<4096x128xf32> -> vector<4096x128xf32>
    %dot_general3A_21 = arith.constant dense<0.000000e+00> : vector<4096x128xf32>
    %dot_general3A_22 = tpu.matmul %get3A_8, %get3A_19, %dot_general3A_21 {dimension_numbers = #tpu.dot_dimension_numbers<[1], [0], [0], [1], [0, 0, 1, 1], [], []>, transpose_lhs_hint = false} : vector<4096x128xf32>, vector<128x128xf32>, vector<4096x128xf32> -> vector<4096x128xf32>
    %add3A = arith.addf %dot_general3A_20, %dot_general3A_22 : vector<4096x128xf32>
    %swap3A = arith.constant 0 : index
    %swap3A_23 = arith.constant 0 : index
    %swap3A_24 = arith.constant 0 : index
    %swap3A_25 = vector.load %arg6[%swap3A, %swap3A_23, %swap3A_24] : memref<1x4096x128xf32, #tpu.memory_space<vmem>>, vector<1x4096x128xf32>
    %swap3A_26 = vector.shape_cast %swap3A_25 : vector<1x4096x128xf32> to vector<4096x128xf32>
    %swap3A_27 = vector.shape_cast %add3A : vector<4096x128xf32> to vector<1x4096x128xf32>
    tpu.vector_store %arg6[%swap3A, %swap3A_23, %swap3A_24], %swap3A_27 {strides = array<i32>} : memref<1x4096x128xf32, #tpu.memory_space<vmem>>, vector<1x4096x128xf32>,
    %dot_general3A_28 = arith.constant dense<0.000000e+00> : vector<512x128xf32>
    %dot_general3A_29 = tpu.matmul %get3A_13, %get3A_16, %dot_general3A_28 {dimension_numbers = #tpu.dot_dimension_numbers<[1], [0], [0], [1], [0, 0, 1, 1], [], []>, transpose_lhs_hint = false} : vector<512x3xf32>, vector<3x128xf32>, vector<512x128xf32> -> vector<512x128xf32>
    %swap3A_30 = arith.constant 0 : index
    %swap3A_31 = arith.constant 0 : index
    %swap3A_32 = arith.constant 0 : index
    %swap3A_33 = vector.load %arg7[%swap3A_30, %swap3A_31, %swap3A_32] : memref<1x512x128xf32, #tpu.memory_space<vmem>>, vector<1x512x128xf32>
    %swap3A_34 = vector.shape_cast %swap3A_33 : vector<1x512x128xf32> to vector<512x128xf32>
    %swap3A_35 = vector.shape_cast %dot_general3A_29 : vector<512x128xf32> to vector<1x512x128xf32>
    tpu.vector_store %arg7[%swap3A_30, %swap3A_31, %swap3A_32], %swap3A_35 {strides = array<i32>} : memref<1x512x128xf32, #tpu.memory_space<vmem>>, vector<1x512x128xf32>,
    return
  }
  func.func @transform_0(%arg0: i32) -> (i32, i32, i32) {
    %c0_i32 = arith.constant 0 : i32
    %c0_i32_0 = arith.constant 0 : i32
    %c0_i32_1 = arith.constant 0 : i32
    return %arg0, %c0_i32, %c0_i32_0 : i32, i32, i32
  }
  func.func @transform_1(%arg0: i32) -> (i32, i32, i32) {
    %c0_i32 = arith.constant 0 : i32
    %c0_i32_0 = arith.constant 0 : i32
    %c0_i32_1 = arith.constant 0 : i32
    return %arg0, %c0_i32, %c0_i32_0 : i32, i32, i32
  }
  func.func @transform_2(%arg0: i32) -> (i32, i32, i32) {
    %c0_i32 = arith.constant 0 : i32
    %c0_i32_0 = arith.constant 0 : i32
    %c0_i32_1 = arith.constant 0 : i32
    return %arg0, %c0_i32, %c0_i32_0 : i32, i32, i32
  }
  func.func @transform_3(%arg0: i32) -> (i32, i32) {
    %c0_i32 = arith.constant 0 : i32
    %c0_i32_0 = arith.constant 0 : i32
    %c0_i32_1 = arith.constant 0 : i32
    return %c0_i32, %c0_i32_0 : i32, i32
  }
  func.func @transform_4(%arg0: i32) -> (i32, i32) {
    %c0_i32 = arith.constant 0 : i32
    %c0_i32_0 = arith.constant 0 : i32
    %c0_i32_1 = arith.constant 0 : i32
    return %c0_i32, %c0_i32_0 : i32, i32
  }
  func.func @transform_5(%arg0: i32) -> (i32, i32, i32) {
    %c0_i32 = arith.constant 0 : i32
    %c0_i32_0 = arith.constant 0 : i32
    %c0_i32_1 = arith.constant 0 : i32
    return %arg0, %c0_i32, %c0_i32_0 : i32, i32, i32
  }
  func.func @transform_6(%arg0: i32) -> (i32, i32, i32) {
    %c0_i32 = arith.constant 0 : i32
    %c0_i32_0 = arith.constant 0 : i32
    %c0_i32_1 = arith.constant 0 : i32
    return %arg0, %c0_i32, %c0_i32_0 : i32, i32, i32
  }
}

module attributes {stable_mosaic.version = 14 : i64} {
  func.func @_passA_kernel(%arg0: i32, %arg1: i32, %arg2: memref<1x4096x128xf32, #tpu.memory_space<vmem>>, %arg3: memref<1x128x128xf32, #tpu.memory_space<vmem>>, %arg4: memref<1x1x128xf32, #tpu.memory_space<vmem>>, %arg5: memref<1x1x128xf32, #tpu.memory_space<vmem>>) attributes {dimension_semantics = [#tpu.dimension_semantics<arbitrary>, #tpu.dimension_semantics<arbitrary>], iteration_bounds = array<i64: 8, 4>, scalar_prefetch = 0 : i64, scratch_operands = 0 : i64, tpu.core_type = #tpu.core_type<tc>, window_params = [{transform_indices = @transform_0, window_bounds = array<i64: 1, 4096, 128>}, {transform_indices = @transform_1, window_bounds = array<i64: 1, 128, 128>}, {transform_indices = @transform_2, window_bounds = array<i64: 1, 1, 128>}, {transform_indices = @transform_3, window_bounds = array<i64: 1, 1, 128>}]} {
    %get3A = arith.constant 0 : index
    %get3A_0 = arith.constant 0 : index
    %get3A_1 = arith.constant 0 : index
    %get3A_2 = vector.load %arg2[%get3A, %get3A_0, %get3A_1] : memref<1x4096x128xf32, #tpu.memory_space<vmem>>, vector<1x4096x128xf32>
    %get3A_3 = vector.shape_cast %get3A_2 : vector<1x4096x128xf32> to vector<4096x128xf32>
    %reshape3A = vector.shape_cast %get3A_3 : vector<4096x128xf32> to vector<128x32x128xf32>
    %get3A_4 = arith.constant 0 : index
    %get3A_5 = arith.constant 0 : index
    %get3A_6 = arith.constant 0 : index
    %get3A_7 = vector.load %arg3[%get3A_4, %get3A_5, %get3A_6] : memref<1x128x128xf32, #tpu.memory_space<vmem>>, vector<1x128x128xf32>
    %get3A_8 = vector.shape_cast %get3A_7 : vector<1x128x128xf32> to vector<128x128xf32>
    %broadcast_in_dim3A = vector.shape_cast %get3A_8 : vector<128x128xf32> to vector<128x1x128xf32>
    %sub3A = vector.broadcast %broadcast_in_dim3A : vector<128x1x128xf32> to vector<128x32x128xf32>
    %sub3A_9 = arith.subf %reshape3A, %sub3A : vector<128x32x128xf32>
    %reshape3A_10 = vector.shape_cast %sub3A_9 : vector<128x32x128xf32> to vector<4096x128xf32>
    %reduce_sum3A = arith.constant dense<0.000000e+00> : vector<128xf32>
    %reduce_sum3A_11 = vector.multi_reduction <add>, %reshape3A_10, %reduce_sum3A [0] : vector<4096x128xf32> to vector<128xf32>
    %broadcast_in_dim3A_12 = vector.shape_cast %reduce_sum3A_11 : vector<128xf32> to vector<1x128xf32>
    %mul3A = arith.mulf %reshape3A_10, %reshape3A_10 : vector<4096x128xf32>
    %reduce_sum3A_13 = arith.constant dense<0.000000e+00> : vector<128xf32>
    %reduce_sum3A_14 = vector.multi_reduction <add>, %mul3A, %reduce_sum3A_13 [0] : vector<4096x128xf32> to vector<128xf32>
    %broadcast_in_dim3A_15 = vector.shape_cast %reduce_sum3A_14 : vector<128xf32> to vector<1x128xf32>
    %eq3A = arith.constant 0 : i32
    %eq3A_16 = arith.cmpi eq, %arg1, %eq3A : i32
    %convert_element_type3A = arith.extui %eq3A_16 : i1 to i32
    %cond3A = arith.constant 0 : i32
    %cond3A_17 = arith.cmpi ne, %convert_element_type3A, %cond3A : i32
    scf.if %cond3A_17 {
      %swap3A = arith.constant 0 : index
      %swap3A_22 = arith.constant 0 : index
      %swap3A_23 = arith.constant 0 : index
      %swap3A_24 = vector.load %arg4[%swap3A, %swap3A_22, %swap3A_23] : memref<1x1x128xf32, #tpu.memory_space<vmem>>, vector<1x1x128xf32>
      %swap3A_25 = vector.shape_cast %swap3A_24 : vector<1x1x128xf32> to vector<1x128xf32>
      %swap3A_26 = vector.shape_cast %broadcast_in_dim3A_12 : vector<1x128xf32> to vector<1x1x128xf32>
      tpu.vector_store %arg4[%swap3A, %swap3A_22, %swap3A_23], %swap3A_26 {strides = array<i32>} : memref<1x1x128xf32, #tpu.memory_space<vmem>>, vector<1x1x128xf32>,
      %swap3A_27 = arith.constant 0 : index
      %swap3A_28 = arith.constant 0 : index
      %swap3A_29 = arith.constant 0 : index
      %swap3A_30 = vector.load %arg5[%swap3A_27, %swap3A_28, %swap3A_29] : memref<1x1x128xf32, #tpu.memory_space<vmem>>, vector<1x1x128xf32>
      %swap3A_31 = vector.shape_cast %swap3A_30 : vector<1x1x128xf32> to vector<1x128xf32>
      %swap3A_32 = vector.shape_cast %broadcast_in_dim3A_15 : vector<1x128xf32> to vector<1x1x128xf32>
      tpu.vector_store %arg5[%swap3A_27, %swap3A_28, %swap3A_29], %swap3A_32 {strides = array<i32>} : memref<1x1x128xf32, #tpu.memory_space<vmem>>, vector<1x1x128xf32>,
    } else {
    }
    %ne3A = arith.constant 0 : i32
    %ne3A_18 = arith.cmpi ne, %arg1, %ne3A : i32
    %convert_element_type3A_19 = arith.extui %ne3A_18 : i1 to i32
    %cond3A_20 = arith.constant 0 : i32
    %cond3A_21 = arith.cmpi ne, %convert_element_type3A_19, %cond3A_20 : i32
    scf.if %cond3A_21 {
      %get3A_22 = arith.constant 0 : index
      %get3A_23 = arith.constant 0 : index
      %get3A_24 = arith.constant 0 : index
      %get3A_25 = vector.load %arg4[%get3A_22, %get3A_23, %get3A_24] : memref<1x1x128xf32, #tpu.memory_space<vmem>>, vector<1x1x128xf32>
      %get3A_26 = vector.shape_cast %get3A_25 : vector<1x1x128xf32> to vector<1x128xf32>
      %add3A = arith.addf %get3A_26, %broadcast_in_dim3A_12 : vector<1x128xf32>
      %swap3A = arith.constant 0 : index
      %swap3A_27 = arith.constant 0 : index
      %swap3A_28 = arith.constant 0 : index
      %swap3A_29 = vector.load %arg4[%swap3A, %swap3A_27, %swap3A_28] : memref<1x1x128xf32, #tpu.memory_space<vmem>>, vector<1x1x128xf32>
      %swap3A_30 = vector.shape_cast %swap3A_29 : vector<1x1x128xf32> to vector<1x128xf32>
      %swap3A_31 = vector.shape_cast %add3A : vector<1x128xf32> to vector<1x1x128xf32>
      tpu.vector_store %arg4[%swap3A, %swap3A_27, %swap3A_28], %swap3A_31 {strides = array<i32>} : memref<1x1x128xf32, #tpu.memory_space<vmem>>, vector<1x1x128xf32>,
      %get3A_32 = arith.constant 0 : index
      %get3A_33 = arith.constant 0 : index
      %get3A_34 = arith.constant 0 : index
      %get3A_35 = vector.load %arg5[%get3A_32, %get3A_33, %get3A_34] : memref<1x1x128xf32, #tpu.memory_space<vmem>>, vector<1x1x128xf32>
      %get3A_36 = vector.shape_cast %get3A_35 : vector<1x1x128xf32> to vector<1x128xf32>
      %add3A_37 = arith.addf %get3A_36, %broadcast_in_dim3A_15 : vector<1x128xf32>
      %swap3A_38 = arith.constant 0 : index
      %swap3A_39 = arith.constant 0 : index
      %swap3A_40 = arith.constant 0 : index
      %swap3A_41 = vector.load %arg5[%swap3A_38, %swap3A_39, %swap3A_40] : memref<1x1x128xf32, #tpu.memory_space<vmem>>, vector<1x1x128xf32>
      %swap3A_42 = vector.shape_cast %swap3A_41 : vector<1x1x128xf32> to vector<1x128xf32>
      %swap3A_43 = vector.shape_cast %add3A_37 : vector<1x128xf32> to vector<1x1x128xf32>
      tpu.vector_store %arg5[%swap3A_38, %swap3A_39, %swap3A_40], %swap3A_43 {strides = array<i32>} : memref<1x1x128xf32, #tpu.memory_space<vmem>>, vector<1x1x128xf32>,
    } else {
    }
    return
  }
  func.func @transform_0(%arg0: i32, %arg1: i32) -> (i32, i32, i32) {
    %c0_i32 = arith.constant 0 : i32
    %c0_i32_0 = arith.constant 0 : i32
    return %arg0, %arg1, %c0_i32 : i32, i32, i32
  }
  func.func @transform_1(%arg0: i32, %arg1: i32) -> (i32, i32, i32) {
    %c0_i32 = arith.constant 0 : i32
    %c0_i32_0 = arith.constant 0 : i32
    return %arg0, %arg1, %c0_i32 : i32, i32, i32
  }
  func.func @transform_2(%arg0: i32, %arg1: i32) -> (i32, i32, i32) {
    %c0_i32 = arith.constant 0 : i32
    %c0_i32_0 = arith.constant 0 : i32
    %c0_i32_1 = arith.constant 0 : i32
    return %arg0, %c0_i32, %c0_i32_0 : i32, i32, i32
  }
  func.func @transform_3(%arg0: i32, %arg1: i32) -> (i32, i32, i32) {
    %c0_i32 = arith.constant 0 : i32
    %c0_i32_0 = arith.constant 0 : i32
    %c0_i32_1 = arith.constant 0 : i32
    return %arg0, %c0_i32, %c0_i32_0 : i32, i32, i32
  }
}

module attributes {stable_mosaic.version = 14 : i64} {
  func.func @_passB_kernel(%arg0: i32, %arg1: i32, %arg2: memref<1x4096x128xf32, #tpu.memory_space<vmem>>, %arg3: memref<1x128x128xf32, #tpu.memory_space<vmem>>, %arg4: memref<1x1x128xf32, #tpu.memory_space<vmem>>, %arg5: memref<1x1x128xf32, #tpu.memory_space<vmem>>, %arg6: memref<128x256xf32, #tpu.memory_space<vmem>>, %arg7: memref<1x128x256xf32, #tpu.memory_space<vmem>>, %arg8: memref<1x1x256xf32, #tpu.memory_space<vmem>>, %arg9: memref<1x1x256xf32, #tpu.memory_space<vmem>>) attributes {dimension_semantics = [#tpu.dimension_semantics<arbitrary>, #tpu.dimension_semantics<arbitrary>], iteration_bounds = array<i64: 8, 4>, scalar_prefetch = 0 : i64, scratch_operands = 0 : i64, tpu.core_type = #tpu.core_type<tc>, window_params = [{transform_indices = @transform_0, window_bounds = array<i64: 1, 4096, 128>}, {transform_indices = @transform_1, window_bounds = array<i64: 1, 128, 128>}, {transform_indices = @transform_2, window_bounds = array<i64: 1, 1, 128>}, {transform_indices = @transform_3, window_bounds = array<i64: 1, 1, 128>}, {pipeline_mode = #tpu.pipeline_mode<synchronous>, transform_indices = @transform_4, window_bounds = array<i64: 128, 256>}, {transform_indices = @transform_5, window_bounds = array<i64: 1, 128, 256>}, {transform_indices = @transform_6, window_bounds = array<i64: 1, 1, 256>}, {transform_indices = @transform_7, window_bounds = array<i64: 1, 1, 256>}]} {
    %get3A = arith.constant 0 : index
    %get3A_0 = arith.constant 0 : index
    %get3A_1 = arith.constant 0 : index
    %get3A_2 = vector.load %arg2[%get3A, %get3A_0, %get3A_1] : memref<1x4096x128xf32, #tpu.memory_space<vmem>>, vector<1x4096x128xf32>
    %get3A_3 = vector.shape_cast %get3A_2 : vector<1x4096x128xf32> to vector<4096x128xf32>
    %reshape3A = vector.shape_cast %get3A_3 : vector<4096x128xf32> to vector<128x32x128xf32>
    %get3A_4 = arith.constant 0 : index
    %get3A_5 = arith.constant 0 : index
    %get3A_6 = arith.constant 0 : index
    %get3A_7 = vector.load %arg3[%get3A_4, %get3A_5, %get3A_6] : memref<1x128x128xf32, #tpu.memory_space<vmem>>, vector<1x128x128xf32>
    %get3A_8 = vector.shape_cast %get3A_7 : vector<1x128x128xf32> to vector<128x128xf32>
    %broadcast_in_dim3A = vector.shape_cast %get3A_8 : vector<128x128xf32> to vector<128x1x128xf32>
    %sub3A = vector.broadcast %broadcast_in_dim3A : vector<128x1x128xf32> to vector<128x32x128xf32>
    %sub3A_9 = arith.subf %reshape3A, %sub3A : vector<128x32x128xf32>
    %get3A_10 = arith.constant 0 : index
    %get3A_11 = arith.constant 0 : index
    %get3A_12 = arith.constant 0 : index
    %get3A_13 = vector.load %arg4[%get3A_10, %get3A_11, %get3A_12] : memref<1x1x128xf32, #tpu.memory_space<vmem>>, vector<1x1x128xf32>
    %get3A_14 = vector.shape_cast %get3A_13 : vector<1x1x128xf32> to vector<1x128xf32>
    %broadcast_in_dim3A_15 = vector.shape_cast %get3A_14 : vector<1x128xf32> to vector<1x1x128xf32>
    %sub3A_16 = vector.broadcast %broadcast_in_dim3A_15 : vector<1x1x128xf32> to vector<128x32x128xf32>
    %sub3A_17 = arith.subf %sub3A_9, %sub3A_16 : vector<128x32x128xf32>
    %get3A_18 = arith.constant 0 : index
    %get3A_19 = arith.constant 0 : index
    %get3A_20 = arith.constant 0 : index
    %get3A_21 = vector.load %arg5[%get3A_18, %get3A_19, %get3A_20] : memref<1x1x128xf32, #tpu.memory_space<vmem>>, vector<1x1x128xf32>
    %get3A_22 = vector.shape_cast %get3A_21 : vector<1x1x128xf32> to vector<1x128xf32>
    %broadcast_in_dim3A_23 = vector.shape_cast %get3A_22 : vector<1x128xf32> to vector<1x1x128xf32>
    %mul3A = vector.broadcast %broadcast_in_dim3A_23 : vector<1x1x128xf32> to vector<128x32x128xf32>
    %mul3A_24 = arith.mulf %sub3A_17, %mul3A : vector<128x32x128xf32>
    %max3A = arith.constant 0.000000e+00 : f32
    %max3A_25 = vector.broadcast %max3A : f32 to vector<128x32x128xf32>
    %max3A_26 = arith.maximumf %mul3A_24, %max3A_25 : vector<128x32x128xf32>
    %reshape3A_27 = vector.shape_cast %max3A_26 : vector<128x32x128xf32> to vector<4096x128xf32>
    %get3A_28 = arith.constant 0 : index
    %get3A_29 = arith.constant 0 : index
    %get3A_30 = vector.load %arg6[%get3A_28, %get3A_29] : memref<128x256xf32, #tpu.memory_space<vmem>>, vector<128x256xf32>
    %dot_general3A = arith.constant dense<0.000000e+00> : vector<4096x256xf32>
    %dot_general3A_31 = tpu.matmul %reshape3A_27, %get3A_30, %dot_general3A {dimension_numbers = #tpu.dot_dimension_numbers<[1], [0], [0], [1], [0, 0, 1, 1], [], []>, transpose_lhs_hint = false} : vector<4096x128xf32>, vector<128x256xf32>, vector<4096x256xf32> -> vector<4096x256xf32>
    %reduce_sum3A = arith.constant dense<0.000000e+00> : vector<256xf32>
    %reduce_sum3A_32 = vector.multi_reduction <add>, %dot_general3A_31, %reduce_sum3A [0] : vector<4096x256xf32> to vector<256xf32>
    %broadcast_in_dim3A_33 = vector.shape_cast %reduce_sum3A_32 : vector<256xf32> to vector<1x256xf32>
    %mul3A_34 = arith.mulf %dot_general3A_31, %dot_general3A_31 : vector<4096x256xf32>
    %reduce_sum3A_35 = arith.constant dense<0.000000e+00> : vector<256xf32>
    %reduce_sum3A_36 = vector.multi_reduction <add>, %mul3A_34, %reduce_sum3A_35 [0] : vector<4096x256xf32> to vector<256xf32>
    %broadcast_in_dim3A_37 = vector.shape_cast %reduce_sum3A_36 : vector<256xf32> to vector<1x256xf32>
    %reshape3A_38 = vector.shape_cast %dot_general3A_31 : vector<4096x256xf32> to vector<128x32x256xf32>
    %reduce_max3A = arith.constant dense<0xFF800000> : vector<128x256xf32>
    %reduce_max3A_39 = vector.multi_reduction <maximumf>, %reshape3A_38, %reduce_max3A [1] : vector<128x32x256xf32> to vector<128x256xf32>
    %swap3A = arith.constant 0 : index
    %swap3A_40 = arith.constant 0 : index
    %swap3A_41 = arith.constant 0 : index
    %swap3A_42 = vector.load %arg7[%swap3A, %swap3A_40, %swap3A_41] : memref<1x128x256xf32, #tpu.memory_space<vmem>>, vector<1x128x256xf32>
    %swap3A_43 = vector.shape_cast %swap3A_42 : vector<1x128x256xf32> to vector<128x256xf32>
    %swap3A_44 = vector.shape_cast %reduce_max3A_39 : vector<128x256xf32> to vector<1x128x256xf32>
    tpu.vector_store %arg7[%swap3A, %swap3A_40, %swap3A_41], %swap3A_44 {strides = array<i32>} : memref<1x128x256xf32, #tpu.memory_space<vmem>>, vector<1x128x256xf32>,
    %eq3A = arith.constant 0 : i32
    %eq3A_45 = arith.cmpi eq, %arg1, %eq3A : i32
    %convert_element_type3A = arith.extui %eq3A_45 : i1 to i32
    %cond3A = arith.constant 0 : i32
    %cond3A_46 = arith.cmpi ne, %convert_element_type3A, %cond3A : i32
    scf.if %cond3A_46 {
      %swap3A_51 = arith.constant 0 : index
      %swap3A_52 = arith.constant 0 : index
      %swap3A_53 = arith.constant 0 : index
      %swap3A_54 = vector.load %arg8[%swap3A_51, %swap3A_52, %swap3A_53] : memref<1x1x256xf32, #tpu.memory_space<vmem>>, vector<1x1x256xf32>
      %swap3A_55 = vector.shape_cast %swap3A_54 : vector<1x1x256xf32> to vector<1x256xf32>
      %swap3A_56 = vector.shape_cast %broadcast_in_dim3A_33 : vector<1x256xf32> to vector<1x1x256xf32>
      tpu.vector_store %arg8[%swap3A_51, %swap3A_52, %swap3A_53], %swap3A_56 {strides = array<i32>} : memref<1x1x256xf32, #tpu.memory_space<vmem>>, vector<1x1x256xf32>,
      %swap3A_57 = arith.constant 0 : index
      %swap3A_58 = arith.constant 0 : index
      %swap3A_59 = arith.constant 0 : index
      %swap3A_60 = vector.load %arg9[%swap3A_57, %swap3A_58, %swap3A_59] : memref<1x1x256xf32, #tpu.memory_space<vmem>>, vector<1x1x256xf32>
      %swap3A_61 = vector.shape_cast %swap3A_60 : vector<1x1x256xf32> to vector<1x256xf32>
      %swap3A_62 = vector.shape_cast %broadcast_in_dim3A_37 : vector<1x256xf32> to vector<1x1x256xf32>
      tpu.vector_store %arg9[%swap3A_57, %swap3A_58, %swap3A_59], %swap3A_62 {strides = array<i32>} : memref<1x1x256xf32, #tpu.memory_space<vmem>>, vector<1x1x256xf32>,
    } else {
    }
    %ne3A = arith.constant 0 : i32
    %ne3A_47 = arith.cmpi ne, %arg1, %ne3A : i32
    %convert_element_type3A_48 = arith.extui %ne3A_47 : i1 to i32
    %cond3A_49 = arith.constant 0 : i32
    %cond3A_50 = arith.cmpi ne, %convert_element_type3A_48, %cond3A_49 : i32
    scf.if %cond3A_50 {
      %get3A_51 = arith.constant 0 : index
      %get3A_52 = arith.constant 0 : index
      %get3A_53 = arith.constant 0 : index
      %get3A_54 = vector.load %arg8[%get3A_51, %get3A_52, %get3A_53] : memref<1x1x256xf32, #tpu.memory_space<vmem>>, vector<1x1x256xf32>
      %get3A_55 = vector.shape_cast %get3A_54 : vector<1x1x256xf32> to vector<1x256xf32>
      %add3A = arith.addf %get3A_55, %broadcast_in_dim3A_33 : vector<1x256xf32>
      %swap3A_56 = arith.constant 0 : index
      %swap3A_57 = arith.constant 0 : index
      %swap3A_58 = arith.constant 0 : index
      %swap3A_59 = vector.load %arg8[%swap3A_56, %swap3A_57, %swap3A_58] : memref<1x1x256xf32, #tpu.memory_space<vmem>>, vector<1x1x256xf32>
      %swap3A_60 = vector.shape_cast %swap3A_59 : vector<1x1x256xf32> to vector<1x256xf32>
      %swap3A_61 = vector.shape_cast %add3A : vector<1x256xf32> to vector<1x1x256xf32>
      tpu.vector_store %arg8[%swap3A_56, %swap3A_57, %swap3A_58], %swap3A_61 {strides = array<i32>} : memref<1x1x256xf32, #tpu.memory_space<vmem>>, vector<1x1x256xf32>,
      %get3A_62 = arith.constant 0 : index
      %get3A_63 = arith.constant 0 : index
      %get3A_64 = arith.constant 0 : index
      %get3A_65 = vector.load %arg9[%get3A_62, %get3A_63, %get3A_64] : memref<1x1x256xf32, #tpu.memory_space<vmem>>, vector<1x1x256xf32>
      %get3A_66 = vector.shape_cast %get3A_65 : vector<1x1x256xf32> to vector<1x256xf32>
      %add3A_67 = arith.addf %get3A_66, %broadcast_in_dim3A_37 : vector<1x256xf32>
      %swap3A_68 = arith.constant 0 : index
      %swap3A_69 = arith.constant 0 : index
      %swap3A_70 = arith.constant 0 : index
      %swap3A_71 = vector.load %arg9[%swap3A_68, %swap3A_69, %swap3A_70] : memref<1x1x256xf32, #tpu.memory_space<vmem>>, vector<1x1x256xf32>
      %swap3A_72 = vector.shape_cast %swap3A_71 : vector<1x1x256xf32> to vector<1x256xf32>
      %swap3A_73 = vector.shape_cast %add3A_67 : vector<1x256xf32> to vector<1x1x256xf32>
      tpu.vector_store %arg9[%swap3A_68, %swap3A_69, %swap3A_70], %swap3A_73 {strides = array<i32>} : memref<1x1x256xf32, #tpu.memory_space<vmem>>, vector<1x1x256xf32>,
    } else {
    }
    return
  }
  func.func @transform_0(%arg0: i32, %arg1: i32) -> (i32, i32, i32) {
    %c0_i32 = arith.constant 0 : i32
    %c0_i32_0 = arith.constant 0 : i32
    return %arg0, %arg1, %c0_i32 : i32, i32, i32
  }
  func.func @transform_1(%arg0: i32, %arg1: i32) -> (i32, i32, i32) {
    %c0_i32 = arith.constant 0 : i32
    %c0_i32_0 = arith.constant 0 : i32
    return %arg0, %arg1, %c0_i32 : i32, i32, i32
  }
  func.func @transform_2(%arg0: i32, %arg1: i32) -> (i32, i32, i32) {
    %c0_i32 = arith.constant 0 : i32
    %c0_i32_0 = arith.constant 0 : i32
    %c0_i32_1 = arith.constant 0 : i32
    return %arg0, %c0_i32, %c0_i32_0 : i32, i32, i32
  }
  func.func @transform_3(%arg0: i32, %arg1: i32) -> (i32, i32, i32) {
    %c0_i32 = arith.constant 0 : i32
    %c0_i32_0 = arith.constant 0 : i32
    %c0_i32_1 = arith.constant 0 : i32
    return %arg0, %c0_i32, %c0_i32_0 : i32, i32, i32
  }
  func.func @transform_4(%arg0: i32, %arg1: i32) -> (i32, i32) {
    %c0_i32 = arith.constant 0 : i32
    %c0_i32_0 = arith.constant 0 : i32
    %c0_i32_1 = arith.constant 0 : i32
    return %c0_i32, %c0_i32_0 : i32, i32
  }
  func.func @transform_5(%arg0: i32, %arg1: i32) -> (i32, i32, i32) {
    %c0_i32 = arith.constant 0 : i32
    %c0_i32_0 = arith.constant 0 : i32
    return %arg0, %arg1, %c0_i32 : i32, i32, i32
  }
  func.func @transform_6(%arg0: i32, %arg1: i32) -> (i32, i32, i32) {
    %c0_i32 = arith.constant 0 : i32
    %c0_i32_0 = arith.constant 0 : i32
    %c0_i32_1 = arith.constant 0 : i32
    return %arg0, %c0_i32, %c0_i32_0 : i32, i32, i32
  }
  func.func @transform_7(%arg0: i32, %arg1: i32) -> (i32, i32, i32) {
    %c0_i32 = arith.constant 0 : i32
    %c0_i32_0 = arith.constant 0 : i32
    %c0_i32_1 = arith.constant 0 : i32
    return %arg0, %c0_i32, %c0_i32_0 : i32, i32, i32
  }
}

module attributes {stable_mosaic.version = 14 : i64} {
  func.func @_passC_kernel(%arg0: i32, %arg1: memref<1x512x256xf32, #tpu.memory_space<vmem>>, %arg2: memref<1x1x256xf32, #tpu.memory_space<vmem>>, %arg3: memref<1x1x256xf32, #tpu.memory_space<vmem>>, %arg4: memref<1x512x256xf32, #tpu.memory_space<vmem>>) attributes {dimension_semantics = [#tpu.dimension_semantics<arbitrary>], iteration_bounds = array<i64: 8>, scalar_prefetch = 0 : i64, scratch_operands = 0 : i64, tpu.core_type = #tpu.core_type<tc>, window_params = [{transform_indices = @transform_0, window_bounds = array<i64: 1, 512, 256>}, {transform_indices = @transform_1, window_bounds = array<i64: 1, 1, 256>}, {transform_indices = @transform_2, window_bounds = array<i64: 1, 1, 256>}, {transform_indices = @transform_3, window_bounds = array<i64: 1, 512, 256>}]} {
    %get3A = arith.constant 0 : index
    %get3A_0 = arith.constant 0 : index
    %get3A_1 = arith.constant 0 : index
    %get3A_2 = vector.load %arg1[%get3A, %get3A_0, %get3A_1] : memref<1x512x256xf32, #tpu.memory_space<vmem>>, vector<1x512x256xf32>
    %get3A_3 = vector.shape_cast %get3A_2 : vector<1x512x256xf32> to vector<512x256xf32>
    %get3A_4 = arith.constant 0 : index
    %get3A_5 = arith.constant 0 : index
    %get3A_6 = arith.constant 0 : index
    %get3A_7 = vector.load %arg2[%get3A_4, %get3A_5, %get3A_6] : memref<1x1x256xf32, #tpu.memory_space<vmem>>, vector<1x1x256xf32>
    %get3A_8 = vector.shape_cast %get3A_7 : vector<1x1x256xf32> to vector<1x256xf32>
    %sub3A = vector.broadcast %get3A_8 : vector<1x256xf32> to vector<512x256xf32>
    %sub3A_9 = arith.subf %get3A_3, %sub3A : vector<512x256xf32>
    %get3A_10 = arith.constant 0 : index
    %get3A_11 = arith.constant 0 : index
    %get3A_12 = arith.constant 0 : index
    %get3A_13 = vector.load %arg3[%get3A_10, %get3A_11, %get3A_12] : memref<1x1x256xf32, #tpu.memory_space<vmem>>, vector<1x1x256xf32>
    %get3A_14 = vector.shape_cast %get3A_13 : vector<1x1x256xf32> to vector<1x256xf32>
    %mul3A = vector.broadcast %get3A_14 : vector<1x256xf32> to vector<512x256xf32>
    %mul3A_15 = arith.mulf %sub3A_9, %mul3A : vector<512x256xf32>
    %max3A = arith.constant 0.000000e+00 : f32
    %max3A_16 = vector.broadcast %max3A : f32 to vector<512x256xf32>
    %max3A_17 = arith.maximumf %mul3A_15, %max3A_16 : vector<512x256xf32>
    %swap3A = arith.constant 0 : index
    %swap3A_18 = arith.constant 0 : index
    %swap3A_19 = arith.constant 0 : index
    %swap3A_20 = vector.load %arg4[%swap3A, %swap3A_18, %swap3A_19] : memref<1x512x256xf32, #tpu.memory_space<vmem>>, vector<1x512x256xf32>
    %swap3A_21 = vector.shape_cast %swap3A_20 : vector<1x512x256xf32> to vector<512x256xf32>
    %swap3A_22 = vector.shape_cast %max3A_17 : vector<512x256xf32> to vector<1x512x256xf32>
    tpu.vector_store %arg4[%swap3A, %swap3A_18, %swap3A_19], %swap3A_22 {strides = array<i32>} : memref<1x512x256xf32, #tpu.memory_space<vmem>>, vector<1x512x256xf32>,
    return
  }
  func.func @transform_0(%arg0: i32) -> (i32, i32, i32) {
    %c0_i32 = arith.constant 0 : i32
    %c0_i32_0 = arith.constant 0 : i32
    %c0_i32_1 = arith.constant 0 : i32
    return %arg0, %c0_i32, %c0_i32_0 : i32, i32, i32
  }
  func.func @transform_1(%arg0: i32) -> (i32, i32, i32) {
    %c0_i32 = arith.constant 0 : i32
    %c0_i32_0 = arith.constant 0 : i32
    %c0_i32_1 = arith.constant 0 : i32
    return %arg0, %c0_i32, %c0_i32_0 : i32, i32, i32
  }
  func.func @transform_2(%arg0: i32) -> (i32, i32, i32) {
    %c0_i32 = arith.constant 0 : i32
    %c0_i32_0 = arith.constant 0 : i32
    %c0_i32_1 = arith.constant 0 : i32
    return %arg0, %c0_i32, %c0_i32_0 : i32, i32, i32
  }
  func.func @transform_3(%arg0: i32) -> (i32, i32, i32) {
    %c0_i32 = arith.constant 0 : i32
    %c0_i32_0 = arith.constant 0 : i32
    %c0_i32_1 = arith.constant 0 : i32
    return %arg0, %c0_i32, %c0_i32_0 : i32, i32, i32
  }
}

</mosaic_0001>

<sc_bundles>
// kernel: kernel.10.cloned.1.call-start
scs
__scs_entry_jumppad:
0x0: {  	(pc) =	sbr.rel $0x88, $3  }
0x1: {  	(tag) =	ssettag $0x0;
	lr =	simm.s32 $0x1  }
0x2: {  	[smem:$0x3F9D] =	sst lr;
	_ =	strace $0xD0000000  }
0x3: {  	_ = 	snop  }
0x4: {  	_ = 	snop  }
0x5: {  	_ = 	snop  }
0x6: {  	_ = 	snop  }
0x7: {  	_ = 	snop  }
__scs_overlays_trampoline_lowered:
0x8: {  	[smem:$0x3FAC] =	sst s0  }
0x9: {  	[smem:$0x3FAD] =	sst s1  }
0xa: {  	[smem:$0x3FAE] =	sst s2  }
0xb: {  	[smem:$0x3FAF] =	sst s3  }
0xc: {  	[smem:$0x3FB0] =	sst s4  }
0xd: {  	[smem:$0x3FB1] =	sst s5  }
0xe: {  	[smem:$0x3FB2] =	sst s6  }
0xf: {  	[smem:$0x3FB3] =	sst s7  }
0x10: {  	[smem:$0x3FB4] =	sst s8  }
0x11: {  	[smem:$0x3FB5] =	sst s9;
	s0 =	simm.s32 @!p0 $0x0  }
0x12: {  	s1 =	sld [smem:$0x3F9B];
	s0 =	simm.s32 @p0 $0x1  }
0x13: {  	[smem:$0x3FB6] =	sst s0;
	s0 =	simm.s32 @!p1 $0x0  }
0x14: {  	s2 =	sld [smem:$0x3F9A];
	s0 =	simm.s32 @p1 $0x1  }
0x15: {  	[smem:$0x3FB7] =	sst s0;
	s0 =	simm.s32 @!p2 $0x0  }
0x16: {  	s3 =	sld [smem:$0x3FDB];
	s0 =	simm.s32 @p2 $0x1  }
0x17: {  	s4 =	simm.s32 $0x1BF5;
	[smem:$0x3FB9] =	sst s0  }
0x18: {  	s0 =	sld [smem:$0x3F9C];
	_ =	swait.ge [sflag:s4], $0x0  }
0x19: {  	s7 =	sld [smem:$0x3F9D]  }
0x1a: {  	s8 =	sadd.s32 $0xFFFFE003, lr  }
0x1b: {  	s9 =	sadd.s32 $0xFFFFFEF7, lr;
	s5 =	simm.s32 $0xFFFFFFFF;
	p2 =	slt.u32 s8, $0xFFFFF086  }
0x1c: {  	p1 =	slt.u32 s9, $0xF7A;
	s5 =	simm.s32 @!p2 $0x0  }
0x1d: {  	s5 =	simm.s32 @p1 $0x1;
	p0 =	seq.s32 s7, s2  }
0x1e: {  	s7 =	smul.u32 @!p0 $0xF7A, s2;
	p2 =	seq.s32 @!p0 s5, $0x0  }
0x1f: {  	s9 =	smul.u32 $0xF7A, s1;
	s8 =	simm.s32 @!p0 $0x1BF5;
	p2 =	por !p2, p0  }
0x20: {  	[sflag:s8] =	ssyncset.s32 @!p0 $0xFFFFF086;
	s6 =	sadd.s32 @!p0 s3, s7;
	s7 =	simm.s32 @!p0 $0x108  }
0x21: {  	s3 =	sadd.s32 s3, s9;
	s6 =	sadd.s32 @!p0 $0x88, s6;
	s7 =	simm.s32 @p2 $0x1082  }
0x22: {  	[simem:s7], [sflag:s8] =	dma.local @!p0 [hbm:s6], $0xF7A  }
0x23: {  	s9 =	sor.u32 $0xD0000000, s2;
	s6 =	simm.s32 $0x108;
	_ =	swait.ge @!p0 [sflag:s8], $0x0  }
0x24: {  	s3 =	sadd.s32 $0x88, s3;
	s6 =	simm.s32 @!p1 $0x1082;
	[sflag:s4] =	ssyncset.s32 $0xFFFFF086  }
0x25: {  	[simem:s6], [sflag:s4] =	dma.local [hbm:s3], $0xF7A  }
0x26: {  	[smem:$0x3F9D] =	sst s1;
	(tag) =	ssettag s2;
	_ =	strace s9  }
0x27: {  	s1 =	sld [smem:$0x3FAD]  }
0x28: {  	s2 =	sld [smem:$0x3FAE]  }
0x29: {  	s4 =	sld [smem:$0x3FB0]  }
0x2a: {  	p0 =	seq.s32 s5, $0x0;
	s5 =	sld [smem:$0x3FB1]  }
0x2b: {  	s6 =	sld [smem:$0x3FB2]  }
0x2c: {  	s7 =	sld [smem:$0x3FB3]  }
0x2d: {  	s3 =	simm.s32 $0x108;
	s8 =	sld [smem:$0x3FB4]  }
0x2e: {  	s3 =	simm.s32 @!p0 $0x1082;
	s9 =	sld [smem:$0x3FB5]  }
0x2f: {  	lr =	sadd.s32 s0, s3;
	s0 =	sld [smem:$0x3FAC]  }
0x30: {  	s3 =	sld [smem:$0x3FAF]  }
0x31: {  	[smem:$0x3FB8] =	sst s10  }
0x32: {  	s10 =	sld [smem:$0x3FB6];
	_ =	sdelay $0x3  }
0x33: {  	p0 =	seq.s32 s10, $0x1;
	s10 =	sld [smem:$0x3FB8];
	_ =	sdelay $0x3  }
0x34: {  	[smem:$0x3FB8] =	sst s10  }
0x35: {  	s10 =	sld [smem:$0x3FB7];
	_ =	sdelay $0x3  }
0x36: {  	p1 =	seq.s32 s10, $0x1;
	s10 =	sld [smem:$0x3FB8];
	_ =	sdelay $0x3  }
0x37: {  	[smem:$0x3FB8] =	sst s10  }
0x38: {  	s10 =	sld [smem:$0x3FB9]  }
0x39: {  	_ = 	snop;
	(pc) =	sbr.ind lr, $3  }
0x3a: {  	_ = 	snop  }
0x3b: {  	_ = 	snop  }
0x3c: {  	p2 =	seq.s32 s10, $0x1;
	s10 =	sld [smem:$0x3FB8]  }
0x3d: {  	_ =	shalt  }
0x3e: {  	_ =	shalt  }
0x3f: {  	_ =	shalt  }
0x40: {  	_ =	shalt  }
0x41: {  	_ =	shalt  }
0x42: {  	_ =	shalt  }
0x43: {  	_ =	shalt  }
0x44: {  	_ =	shalt  }
0x45: {  	_ =	shalt  }
0x46: {  	_ =	shalt  }
0x47: {  	_ =	shalt  }
0x48: {  	_ =	shalt  }
0x49: {  	_ =	shalt  }
0x4a: {  	_ =	shalt  }
0x4b: {  	_ =	shalt  }
0x4c: {  	_ =	shalt  }
0x4d: {  	_ =	shalt  }
0x4e: {  	_ =	shalt  }
0x4f: {  	_ =	shalt  }
0x50: {  	_ =	shalt  }
0x51: {  	_ =	shalt  }
0x52: {  	_ =	shalt  }
0x53: {  	_ =	shalt  }
0x54: {  	_ =	shalt  }
0x55: {  	_ =	shalt  }
0x56: {  	_ =	shalt  }
0x57: {  	_ =	shalt  }
0x58: {  	_ =	shalt  }
0x59: {  	_ =	shalt  }
0x5a: {  	_ =	shalt  }
0x5b: {  	_ =	shalt  }
0x5c: {  	_ =	shalt  }
0x5d: {  	_ =	shalt  }
0x5e: {  	_ =	shalt  }
0x5f: {  	_ =	shalt  }
0x60: {  	_ =	shalt  }
0x61: {  	_ =	shalt  }
0x62: {  	_ =	shalt  }
0x63: {  	_ =	shalt  }
0x64: {  	_ =	shalt  }
0x65: {  	_ =	shalt  }
0x66: {  	_ =	shalt  }
0x67: {  	_ =	shalt  }
0x68: {  	_ =	shalt  }
0x69: {  	_ =	shalt  }
0x6a: {  	_ =	shalt  }
0x6b: {  	_ =	shalt  }
0x6c: {  	_ =	shalt  }
0x6d: {  	_ =	shalt  }
0x6e: {  	_ =	shalt  }
0x6f: {  	_ =	shalt  }
0x70: {  	_ =	shalt  }
0x71: {  	_ =	shalt  }
0x72: {  	_ =	shalt  }
0x73: {  	_ =	shalt  }
0x74: {  	_ =	shalt  }
0x75: {  	_ =	shalt  }
0x76: {  	_ =	shalt  }
0x77: {  	_ =	shalt  }
0x78: {  	_ =	shalt  }
0x79: {  	_ =	shalt  }
0x7a: {  	_ =	shalt  }
0x7b: {  	_ =	shalt  }
0x7c: {  	_ =	shalt  }
0x7d: {  	_ =	shalt  }
0x7e: {  	_ =	shalt  }
0x7f: {  	_ =	shalt  }
0x80: {  	_ =	shalt  }
0x81: {  	_ =	shalt  }
0x82: {  	_ =	shalt  }
0x83: {  	_ =	shalt  }
0x84: {  	_ =	shalt  }
0x85: {  	_ =	shalt  }
0x86: {  	_ =	shalt  }
0x87: {  	_ =	shalt  }
.Lfunc_end0:
.L_simem_size_0:
called_computation_lowered:
.L_overlay_start_0:
0x88: {  	s2 =	sld [smem:$0x3FD9]  }
0x89: {  	s3 =	sld [smem:$0x3FFE];
	_ =	sdelay $0x1  }
0x8a: {  	s1 =	srdreg.scid  }
0x8b: {  	s0 =	sand.u32 $0x1, s1  }
0x8c: {  	s14 =	sshll.u32 s0, $0xA;
	s2 =	sadd.s32 s3, s2  }
0x8d: {  	s2 =	sadd.s32 s2, s14  }
0x8e: {  	[smem:$0x3FC4] =	sst s2  }
0x8f: {  	_ = 	snop  }
0x90: {  	s2 =	sld [smem:$0x3FD0];
	_ =	sdelay $0x2  }
0x91: {  	s15 =	simm.s32 $0xA;
	s4 =	simm.s32 $0x10  }
0x92: {  	[smem:s4], [sflag:s15] =	dma.local [hbm:s2], $0x1  }
0x93: {  	_ =	swait.eq [sflag:s15], $0x1  }
0x94: {  	[sflag:s15] =	ssyncset.done $0x0  }
0x95: {  	[sflag:s15] =	ssyncadd.s32 $0xFFFFFFFF  }
0x96: {  	s16 =	sld [smem:$0x11];
	(tm) =	ssettm $0x1  }
0x97: {  	s17 =	sld [smem:$0x3FFB];
	_ =	sdelay $0x3  }
0x98: {  	_ =	strace s17  }
0x99: {  	s3 =	sld [smem:$0x3FFC];
	_ =	sdelay $0x3  }
0x9a: {  	_ =	strace s3  }
0x9b: {  	s3 =	sld [smem:$0x3FFD];
	_ =	sdelay $0x3  }
0x9c: {  	_ =	strace s3  }
0x9d: {  	_ =	strace $0x8FFFFFFF  }
0x9e: {  	s18 =	sld [smem:$0x3FDB];
	_ =	sdelay $0x1  }
0x9f: {  	s19 =	simm.s32 $_scs_section_size  }
0xa0: {  	s5 =	simm.s32 $_size__tile_overlayer_lowered;
	s6 =	simm.s32 $_tile_overlayer_lowered  }
0xa1: {  	s22 =	simm.s32 $0x1BFF;
	s21 =	sshll.u32 s6, $0x1;
	s3 =	sadd.s32 s19, s18  }
0xa2: {  	s7 =	simm.s32 $0x0;
	s20 =	sshll.u32 s5, $0x1;
	s5 =	sadd.s32 s21, s3  }
0xa3: {  	[timem:s7], [sflag:s22] =	dma.local [hbm:s5], s20  }
0xa4: {  	_ =	swait.ge [sflag:s22], s20  }
0xa5: {  	s4 =	ssub.s32 $0x0, s20;
	[sflag:s22] =	ssyncset.done $0x0  }
0xa6: {  	[sflag:s22] =	ssyncadd.s32 s4;
	_ =	sdelay $0x1  }
0xa7: {  	s23 =	simm.s32 $0x1B8B  }
0xa8: {  	_ =	swait.ge [sflag:s23], $0x1  }
0xa9: {  	[sflag:s23] =	ssyncset.done $0x0  }
0xaa: {  	s25 =	simm.s32 $0x1B8E;
	s24 =	sld [smem:$0x3FFE];
	[sflag:s23] =	ssyncadd.s32 $0xFFFFFFFF  }
0xab: {  	s26 =	simm.s32 $execute0_lowered;
	[smem:$0x3FD2] =	sst s25  }
0xac: {  	s5 =	sshll.u32 s26, $0x1;
	_ =	strace $0x80000046;
	[dreg:$0x1] =	wrdreg $0xFFFFFFFF  }
0xad: {  	s28 =	simm.s32 $_size_execute0_lowered;
	s3 =	sadd.s32 s3, s5;
	[dreg:$0x0] =	wrdreg $0x0  }
0xae: {  	s5 =	sshll.u32 s28, $0x1;
	[dreg:$0x2] =	wrdreg s3  }
0xaf: {  	[dreg:$0x3] =	wrdreg s5  }
0xb0: {  	[dreg:$0x4] =	wrdreg $0xC0  }
0xb1: {  	_ =	task [dreg:s7], $0x5FFFF  }
0xb2: {  	[dreg:$0x1] =	wrdreg $0xFFFFFFFF  }
0xb3: {  	[dreg:$0x0] =	wrdreg $0x60  }
0xb4: {  	[dreg:$0x2] =	wrdreg s24  }
0xb5: {  	[dreg:$0x3] =	wrdreg s16  }
0xb6: {  	[dreg:$0x4] =	wrdreg $0x9  }
0xb7: {  	_ =	task.clear_ibuf [dreg:s7], $0x5FFFF;
	_ =	strace $0x90000046  }
0xb8: {  	s29 =	simm.s32 $0x9;
	_ =	strace $0x80000048  }
0xb9: {  	_ =	swait.ge [sflag:s29], $0x1  }
0xba: {  	[sflag:s29] =	ssyncadd.s32 $0xFFFFFFFF  }
0xbb: {  	_ =	strace $0x90000048  }
0xbc: {  	_ =	sfence  }
0xbd: {  	s30 =	sld [smem:$0x0];
	_ =	sdelay $0x2  }
0xbe: {  	s31 =	sshll.u32 s1, $0xD;
	s1 =	sshrl.u32 s1, $0x2  }
0xbf: {  	s3 =	sand.u32 $0x4000, s31;
	s1 =	sadd.s32 s1, s30  }
0xc0: {  	s0 =	sor.u32 s3, s0;
	s1 =	sshll.u32 s1, $0x11  }
0xc1: {  	s0 =	sor.u32 s1, s0  }
0xc2: {  	s0 =	sadd.s32 $0x8F2B, s0  }
0xc3: {  	[sflag:s0] =	ssyncadd.remote.s32 $0x1  }
0xc4: {  	_ =	sfence.sel $0xFFFF  }
0xc5: {  	[dreg:$0x0] =	wrdreg $0xFFFFFFFF;
	(pc) =	sbr.abs _section_cstart, $3  }
0xc6: {  	[dreg:$0x1] =	wrdreg $0xFFFFFFFF  }
0xc7: {  	_ =	task.clear_ibuf [dreg:s7], $0x2FFFF;
	_ =	strace $0x9FFFFFFF  }
0xc8: {  	(tm) =	ssettm $0x7FFFFFFF  }
0xc9: {  	_ =	shalt  }
tec
execute0_lowered:
.L_overlay_start_1:
0x0: {  	(tag) =	ssettag $0x1  }
0x1: {  	s0 =	rddreg [dreg:$0x0];
	s1 =	srdreg.scid  }
0x2: {  	s2 =	stileid.u32;
	s4 =	rddreg [dreg:$0x1]  }
0x3: {  	s7 =	simm.s32 $0x2;
	s9 =	simm.s32 $0x3;
	s14 =	simm.s32 $0x4  }
0x4: {  	s19 =	simm.s32 $0xD;
	s20 =	simm.s32 $0xC;
	s21 =	simm.s32 $0x11080  }
0x5: {  	s22 =	simm.s32 $0x0;
	s1 =	sand.u32 $0x1, s1;
	s3 =	sshll.u32 s2, $0x1  }
.Ltmp0:
0x6: {  	vm0 =	vcmask $0x300;
	vm1 =	vcmask $0x704;
	vm2 =	vcmask $0xB08;
	s2 =	simm.s32 $0x0;
	s3 =	sor.u32 s1, s3;
	(pc) =	sbr.rel .LBB2_1-.Ltmp0, $4  }
0x7: {  	vm3 =	vcmask $0xF0C;
	vm4 =	vcmask $0x1310;
	vm5 =	vcmask $0x1714;
	[smem:$0x7FF] =	sst s2;
	s1 =	ssub.s32 $0x2, s1;
	s5 =	smul.u32 $0x2200, s3  }
0x8: {  	vm6 =	vcmask $0x1B18;
	vm7 =	vcmask $0x1F1C;
	vm8 =	vcmask $0x2320;
	_ =	strace $0x80000047;
	s31 =	sshrl.u32 s1, $0x1;
	s6 =	sshll.u32 s3, $0x9  }
0x9: {  	vm9 =	vcmask $0x2724;
	vm10 =	vcmask $0x2B28;
	vm11 =	vcmask $0x2F2C;
	s1 =	ssub.s32 s1, s31;
	s4 =	sadd.s32 s4, s6;
	s0 =	sadd.s32 s5, s0  }
0xa: {  	vm12 =	vcmask $0x3330;
	vm13 =	vcmask $0x3734;
	vm14 =	vcmask $0x3B38;
	s6 =	simm.s32 $0x1;
	s5 =	smax.u32 s1, $0x1;
	s3 =	sadd.s32 $0x400, s0  }
.LBB2_15:
0xb: {  	s22 =	sadd.s32 $0x1, s22  }
0xc: {  	p0 =	sne.s32 s22, s5  }
.Ltmp1:
0xd: {  	_ = 	snop;
	(pc) =	sbr.rel @!p0 .LBB2_16-.Ltmp1, $4  }
0xe: {  	[hbm4b:s4+s2] =	stream.linear.scatter [tilespmem:s21], [sflag:$0x1], $0x1000, $0x38;
	[tilespmem:$0x12080] =	vst v63  }
0xf: {  	_ =	swait.ge [sflag:s6], $0x1000  }
0x10: {  	[sflag:s6] =	ssyncset.done $0x0  }
0x11: {  	[sflag:s6] =	ssyncadd.s32 $0xFFFFF000  }
.LBB2_1:
0x12: {  	[smem:$0x0] =	sst s2  }
0x13: {  	[tilespmem:s2], [sflag:$0x1] =	stream.linear.gather [hbm4b:s3+s2], $0x11000, $0x38;
	[tilespmem:$0x12080] =	vst v63  }
0x14: {  	[smem:$0x1] =	sst s6  }
0x15: {  	s0 =	simm.s32 $0x5;
	[smem:$0x2] =	sst s7  }
0x16: {  	[smem:$0x3] =	sst s0  }
0x17: {  	s23 =	simm.s32 $0x9;
	[smem:$0x4] =	sst s9  }
0x18: {  	s24 =	simm.s32 $0x6;
	[smem:$0x5] =	sst s23  }
0x19: {  	s25 =	simm.s32 $0xB;
	[smem:$0x6] =	sst s24  }
0x1a: {  	s26 =	simm.s32 $0xF;
	[smem:$0x7] =	sst s25  }
0x1b: {  	[smem:$0x8] =	sst s26  }
0x1c: {  	s28 =	simm.s32 $0x8;
	[smem:$0x9] =	sst s14  }
0x1d: {  	s29 =	simm.s32 $0xA;
	[smem:$0xA] =	sst s28  }
0x1e: {  	s30 =	simm.s32 $0xE;
	[smem:$0xB] =	sst s29  }
0x1f: {  	s31 =	simm.s32 $0x7;
	[smem:$0xC] =	sst s30  }
0x20: {  	[smem:$0xD] =	sst s31  }
0x21: {  	[smem:$0xE] =	sst s19  }
0x22: {  	[smem:$0xF] =	sst s20  }
0x23: {  	[smem:$0x80] =	sst s2  }
0x24: {  	[smem:$0x81] =	sst s6  }
0x25: {  	[smem:$0x82] =	sst s6  }
0x26: {  	[smem:$0x83] =	sst s7  }
0x27: {  	[smem:$0x84] =	sst s6  }
0x28: {  	[smem:$0x85] =	sst s7  }
0x29: {  	[smem:$0x86] =	sst s7  }
0x2a: {  	[smem:$0x87] =	sst s9  }
0x2b: {  	[smem:$0x88] =	sst s6  }
0x2c: {  	[smem:$0x89] =	sst s7  }
0x2d: {  	[smem:$0x8A] =	sst s7  }
0x2e: {  	[smem:$0x8B] =	sst s9  }
0x2f: {  	[smem:$0x8C] =	sst s7  }
0x30: {  	[smem:$0x8D] =	sst s9  }
.Ltmp2:
0x31: {  	[smem:$0x8E] =	sst s9;
	(pc) =	sbr.rel .LBB2_2-.Ltmp2, $4  }
0x32: {  	[smem:$0x8F] =	sst s14  }
0x33: {  	_ =	swait.ge [sflag:s6], $0x11000  }
0x34: {  	[sflag:s6] =	ssyncset.done $0x0  }
0x35: {  	s23 =	simm.s32 $0x0;
	[sflag:s6] =	ssyncadd.s32 $0xFFFEF000  }
.LBB2_14:
0x36: {  	s0 =	sld [smem:$0x100]  }
0x37: {  	s1 =	sld [smem:$0x110]  }
0x38: {  	s8 =	sld [smem:$0x101]  }
0x39: {  	s10 =	sld [smem:$0x111]  }
0x3a: {  	s11 =	sld [smem:$0x102]  }
0x3b: {  	s12 =	sld [smem:$0x112]  }
0x3c: {  	s13 =	sld [smem:$0x103]  }
0x3d: {  	s15 =	sld [smem:$0x113]  }
0x3e: {  	s24 =	sld [smem:$0x104]  }
0x3f: {  	s25 =	sld [smem:$0x114]  }
0x40: {  	s26 =	sld [smem:$0x105]  }
0x41: {  	s28 =	sld [smem:$0x115]  }
0x42: {  	s29 =	sld [smem:$0x106]  }
0x43: {  	s30 =	sld [smem:$0x116]  }
0x44: {  	s31 =	sld [smem:$0x107]  }
0x45: {  	s16 =	sld [smem:$0x10F]  }
0x46: {  	s17 =	sld [smem:$0x11F]  }
0x47: {  	s18 =	sld [smem:$0x117]  }
0x48: {  	v0 =	vmov s16;
	s16 =	sld [smem:$0x108]  }
0x49: {  	v1 =	vmov s17;
	s17 =	sld [smem:$0x11B];
	v0 =	vsel vm0, s0, v0  }
0x4a: {  	s0 =	sld [smem:$0x118];
	v1 =	vsel vm0, s1, v1;
	v0 =	vsel vm1, s8, v0  }
0x4b: {  	s8 =	sld [smem:$0x109];
	v1 =	vsel vm1, s10, v1;
	v0 =	vsel vm2, s11, v0  }
0x4c: {  	s11 =	sld [smem:$0x119];
	v1 =	vsel vm2, s12, v1;
	v0 =	vsel vm3, s13, v0  }
0x4d: {  	s12 =	sld [smem:$0x10A];
	v1 =	vsel vm3, s15, v1;
	v0 =	vsel vm4, s24, v0  }
0x4e: {  	s13 =	sld [smem:$0x11A];
	v1 =	vsel vm4, s25, v1;
	v0 =	vsel vm5, s26, v0  }
0x4f: {  	s15 =	sld [smem:$0x10B];
	v1 =	vsel vm5, s28, v1;
	v0 =	vsel vm6, s29, v0  }
0x50: {  	s24 =	sld [smem:$0x10C];
	v1 =	vsel vm6, s30, v1;
	v0 =	vsel vm7, s31, v0  }
0x51: {  	s25 =	sld [smem:$0x11C];
	v1 =	vsel vm7, s18, v1;
	v0 =	vsel vm8, s16, v0  }
0x52: {  	s26 =	sld [smem:$0x10D];
	v1 =	vsel vm8, s0, v1;
	v0 =	vsel vm9, s8, v0  }
0x53: {  	s28 =	sld [smem:$0x11D];
	s31 =	sshll.u32 s23, $0x5;
	s23 =	sadd.s32 $0x1, s23;
	v1 =	vsel vm9, s11, v1;
	v0 =	vsel vm10, s12, v0  }
0x54: {  	s29 =	sld [smem:$0x10E];
	p0 =	sne.s32 s23, $0x80;
	v1 =	vsel vm10, s13, v1;
	v0 =	vsel vm11, s15, v0  }
.Ltmp3:
0x55: {  	s30 =	sld [smem:$0x11E];
	v1 =	vsel vm11, s17, v1;
	v0 =	vsel vm12, s24, v0;
	(pc) =	sbr.rel @!p0 .LBB2_15-.Ltmp3, $4  }
0x56: {  	v1 =	vsel vm12, s25, v1;
	v0 =	vsel vm13, s26, v0  }
0x57: {  	s0 =	sand.u32 $0x3FFFFFE0, s31;
	v1 =	vsel vm13, s28, v1;
	v0 =	vsel vm14, s29, v0  }
0x58: {  	v1 =	vsel vm14, s30, v1;
	[tilespmem:s0+$0x11080] =	vst v0  }
0x59: {  	[tilespmem:s0+$0x11090] =	vst v1  }
.LBB2_2:
0x5a: {  	s0 =	smul.u32 $0x880, s23  }
.Ltmp4:
0x5b: {  	_ = 	snop;
	(pc) =	sbr.rel .LBB2_3-.Ltmp4, $4  }
0x5c: {  	_ = 	snop  }
0x5d: {  	s0 =	sshra.s32 s0, $0x2  }
0x5e: {  	s1 =	sadd.s32 $0x200, s0  }
0x5f: {  	s25 =	simm.s32 $0x0;
	s24 =	simm.s32 $0x0;
	v1 =	vmov s0;
	v0 =	vmov s1  }
.LBB2_13:
0x60: {  	s24 =	sadd.s32 $0x1, s24  }
0x61: {  	p0 =	sne.s32 s24, $0x20  }
.Ltmp5:
0x62: {  	_ = 	snop;
	(pc) =	sbr.rel @!p0 .LBB2_14-.Ltmp5, $1  }
0x63: {  	_ =	sdelay $0x3  }
.LBB2_3:
0x64: {  	_ =	sdelay $0x3  }
0x65: {  	v2 =	vld.idx.msk [tilespmem:v0+s24+$0x0 ss:$0x1], $0xffff;
	_ =	sdelay $0x4  }
0x66: {  	(v2sf) =	vpush v2, $0x0;
	_ =	sdelay $0xe  }
0x67: {  	p0 =	sgt.s32 s25, $0x1F;
	s26 =	spop (v2sf)  }
0x68: {  	s26 =	simm.s32 @p0 $0x0  }
0x69: {  	s0 =	sand.u32 $0xF, s26;
	s1 =	sshrl.u32 s26, $0x4;
	s8 =	sshrl.u32 s26, $0x8  }
0x6a: {  	s10 =	sshrl.u32 s26, $0xC;
	s0 =	sor.u32 $0x80, s0;
	s1 =	sand.u32 $0xF, s1  }
0x6b: {  	s8 =	sand.u32 $0xF, s8;
	s0 =	sld [smem:s0+$0x0];
	s1 =	sor.u32 $0x80, s1  }
0x6c: {  	s10 =	sand.u32 $0xF, s10;
	s8 =	sor.u32 $0x80, s8;
	s1 =	sld [smem:s1+$0x0]  }
0x6d: {  	s10 =	sor.u32 $0x80, s10;
	s8 =	sld [smem:s8+$0x0]  }
0x6e: {  	s10 =	sld [smem:s10+$0x0]  }
0x6f: {  	s0 =	sadd.s32 s0, s1  }
0x70: {  	s0 =	sadd.s32 s8, s0  }
0x71: {  	s28 =	sadd.s32 s10, s0  }
0x72: {  	p0 =	slt.s32 s28, $0x1  }
.Ltmp6:
0x73: {  	_ = 	snop;
	(pc) =	sbr.rel @p0 .LBB2_13-.Ltmp6, $1  }
0x74: {  	_ =	sdelay $0x3  }
.Ltmp7:
0x75: {  	(pc) =	sbr.rel .LBB2_5-.Ltmp7, $2  }
0x76: {  	_ =	sdelay $0x2  }
0x77: {  	s29 =	sshll.u32 s24, $0x4;
	s30 =	simm.s32 $0x0  }
.LBB2_7:
0x78: {  	s8 =	smov.u32 s0  }
.LBB2_11:
0x79: {  	s10 =	sshrl.u32 s10, $0xC  }
0x7a: {  	[smem:s8] =	sst @p0 s13;
	s10 =	sand.u32 $0xF, s10  }
0x7b: {  	s10 =	sld [smem:s10+$0x0];
	_ =	sdelay $0x1  }
0x7c: {  	s8 =	sadd.s32 @p0 $0x1, s8  }
0x7d: {  	s0 =	smov.u32 @p0 s8;
	s1 =	sadd.s32 s1, s10  }
0x7e: {  	[smem:s0] =	sst s1  }
.LBB2_12:
0x7f: {  	s30 =	sadd.s32 $0x1, s30  }
0x80: {  	p0 =	sne.s32 s30, s28  }
.Ltmp8:
0x81: {  	_ = 	snop;
	(pc) =	sbr.rel @!p0 .LBB2_13-.Ltmp8, $2  }
0x82: {  	_ =	sdelay $0x2  }
0x83: {  	s26 =	sxor.u32 s26, s31  }
.LBB2_5:
0x84: {  	s0 =	ssub.s32 $0x0, s26  }
0x85: {  	s31 =	sand.u32 s0, s26  }
0x86: {  	s0 =	smul.u32 $0x9AF, s31;
	_ =	sdelay $0x1  }
0x87: {  	s0 =	sshrl.u32 s0, $0xC  }
0x88: {  	s0 =	sand.u32 $0xF, s0  }
0x89: {  	s0 =	sld [smem:s0+$0x0];
	_ =	sdelay $0x2  }
0x8a: {  	s0 =	sadd.s32 s29, s0  }
0x8b: {  	v2 =	vld.idx.msk [tilespmem:v1+s0+$0x0 ss:$0x1], $0xffff;
	_ =	sdelay $0x4  }
0x8c: {  	(v2sf) =	vpush v2, $0x0;
	_ =	sdelay $0xe  }
0x8d: {  	p0 =	sgt.s32 s25, $0x1F;
	s8 =	spop (v2sf)  }
0x8e: {  	s8 =	simm.s32 @p0 $0x0  }
0x8f: {  	s1 =	sand.u32 $0xF, s8;
	s10 =	sshrl.u32 s8, $0x4;
	s11 =	sshrl.u32 s8, $0x8  }
0x90: {  	s12 =	sshrl.u32 s8, $0xC;
	s1 =	sor.u32 $0x80, s1;
	s10 =	sand.u32 $0xF, s10  }
0x91: {  	s11 =	sand.u32 $0xF, s11;
	s1 =	sld [smem:s1+$0x0];
	s10 =	sor.u32 $0x80, s10  }
0x92: {  	s17 =	sand.u32 $0xF, s12;
	s16 =	sor.u32 $0x80, s11;
	s13 =	sld [smem:s10+$0x0]  }
0x93: {  	s11 =	sor.u32 $0x80, s17;
	s10 =	sld [smem:s16+$0x0]  }
0x94: {  	s11 =	sld [smem:s11+$0x0]  }
0x95: {  	s18 =	sadd.s32 s1, s13  }
0x96: {  	s12 =	sadd.s32 s10, s18  }
0x97: {  	s12 =	sadd.s32 s11, s12  }
0x98: {  	p0 =	slt.s32 s12, $0x1  }
.Ltmp9:
0x99: {  	_ = 	snop;
	(pc) =	sbr.rel @p0 .LBB2_12-.Ltmp9, $1  }
0x9a: {  	_ =	sdelay $0x3  }
0x9b: {  	s13 =	sadd.s32 s13, s25;
	p1 =	sne.s32 s12, $0x1  }
.Ltmp10:
0x9c: {  	s0 =	sshll.u32 s0, $0x4;
	s15 =	sshll.u32 s25, $0x2;
	(pc) =	sbr.rel @!p1 .LBB2_7-.Ltmp10, $4  }
0x9d: {  	s17 =	ssub.s32 $0x0, s8;
	p0 =	por $0x0, $0x0;
	s13 =	sadd.s32 s1, s13  }
0x9e: {  	s1 =	sand.u32 $0xFF0, s0;
	s18 =	sand.u32 s17, s8;
	s10 =	sadd.s32 s10, s13  }
0x9f: {  	s16 =	sshra.s32 s15, $0x2;
	s25 =	sadd.s32 s11, s10;
	s10 =	smul.u32 $0x9AF, s18  }
0xa0: {  	s0 =	sadd.s32 $0x100, s16;
	s8 =	sxor.u32 s8, s18;
	s11 =	sadd.s32 $0xFFFFFFFF, s12  }
0xa1: {  	s10 =	sshrl.u32 s10, $0xC;
	p1 =	sne.s32 s11, $0x1  }
.Ltmp11:
0xa2: {  	s10 =	sand.u32 $0xF, s10;
	(pc) =	sbr.rel @!p1 .LBB2_9-.Ltmp11, $4  }
0xa3: {  	s12 =	ssub.s32 $0x0, s8;
	s13 =	sld [smem:s10+$0x0]  }
0xa4: {  	s12 =	sand.u32 s12, s8  }
0xa5: {  	s11 =	sadd.s32 $0xFFFFFFFF, s11;
	p0 =	por $0x1, $0x1;
	s10 =	smul.u32 $0x9AF, s12  }
0xa6: {  	s12 =	sxor.u32 s8, s12;
	s8 =	smov.u32 s0;
	s13 =	sadd.s32 s1, s13  }
.LBB2_10:
0xa7: {  	s10 =	sshrl.u32 s10, $0xC  }
0xa8: {  	[smem:s8] =	sst s13;
	s8 =	sadd.s32 $0x1, s8;
	p1 =	sne.s32 s11, $0x1  }
.Ltmp12:
0xa9: {  	s10 =	sand.u32 $0xF, s10;
	(pc) =	sbr.rel @p1 .LBB2_10-.Ltmp12, $4  }
0xaa: {  	s13 =	ssub.s32 $0x0, s12;
	s11 =	sadd.s32 $0xFFFFFFFF, s11;
	s15 =	sld [smem:s10+$0x0]  }
0xab: {  	s13 =	sand.u32 s13, s12  }
0xac: {  	s10 =	smul.u32 $0x9AF, s13;
	s12 =	sxor.u32 s12, s13  }
0xad: {  	s13 =	sadd.s32 s1, s15  }
.Ltmp13:
0xae: {  	_ = 	snop;
	(pc) =	sbr.rel .LBB2_11-.Ltmp13, $1  }
0xaf: {  	_ =	sdelay $0x3  }
.LBB2_9:
.Ltmp14:
0xb0: {  	(pc) =	sbr.rel .LBB2_11-.Ltmp14, $2  }
0xb1: {  	_ =	sdelay $0x2  }
0xb2: {  	s8 =	smov.u32 s0  }
.LBB2_16:
0xb3: {  	_ =	sfence.sel $0x180000  }
0xb4: {  	[bflag:$0x0] =	sbarrier.arrive $0xFFFF  }
0xb5: {  	_ =	strace $0x90000047  }
0xb6: {  	s0 =	stileid.u32;
	[bflag:$0x2] =	sbarrier.arrive $0xFFFF  }
0xb7: {  	p0 =	sne.s32 s0, $0x0;
	s0 =	rddreg [dreg:$0x2]  }
0xb8: {  	s0 =	sadd.s32 @!p0 $0x100000, s0  }
0xb9: {  	[sflag:s0] =	ssyncadd.tile.s32 @!p0 $0x1;
	_ =	shalt  }
.Lfunc_end2:
_tile_overlayer_lowered:
.L_overlay_start_2:
0xba: {  	(tag) =	ssettag $0x2  }
0xbb: {  	s0 =	rddreg [dreg:$0x0];
	s2 =	stileid.u32  }
0xbc: {  	s1 =	rddreg [dreg:$0x1];
	p0 =	sne.s32 s2, $0x0  }
0xbd: {  	s3 =	rddreg [dreg:$0x2];
	[bflag:$0x3] =	sbarrier.arrive $0xFFFF;
	s2 =	simm.s32 @!p0 $0x1C01  }
0xbe: {  	[timem:s3], [sflag:s2] =	dma.local @!p0 [hbm:s0], s1  }
0xbf: {  	s0 =	simm.s32 @!p0 $0x1  }
0xc0: {  	_ =	swait.ge @!p0 [sflag:s0], s1  }
0xc1: {  	s1 =	ssub.s32 @!p0 $0x0, s1;
	[sflag:s0] =	ssyncset.done @!p0 $0x0  }
0xc2: {  	[sflag:s0] =	ssyncadd.s32 @!p0 s1  }
0xc3: {  	[bflag:$0x3] =	sbarrier.arrive $0xFFFF  }
0xc4: {  	_ =	shalt  }

// kernel: kernel.13.cloned.1.call-start
scs
__scs_entry_jumppad:
0x0: {  	(pc) =	sbr.rel $0x88, $3  }
0x1: {  	(tag) =	ssettag $0x0;
	lr =	simm.s32 $0x1  }
0x2: {  	[smem:$0x3F9D] =	sst lr;
	_ =	strace $0xD0000000  }
0x3: {  	_ = 	snop  }
0x4: {  	_ = 	snop  }
0x5: {  	_ = 	snop  }
0x6: {  	_ = 	snop  }
0x7: {  	_ = 	snop  }
__scs_overlays_trampoline_lowered:
0x8: {  	[smem:$0x3FAC] =	sst s0  }
0x9: {  	[smem:$0x3FAD] =	sst s1  }
0xa: {  	[smem:$0x3FAE] =	sst s2  }
0xb: {  	[smem:$0x3FAF] =	sst s3  }
0xc: {  	[smem:$0x3FB0] =	sst s4  }
0xd: {  	[smem:$0x3FB1] =	sst s5  }
0xe: {  	[smem:$0x3FB2] =	sst s6  }
0xf: {  	[smem:$0x3FB3] =	sst s7  }
0x10: {  	[smem:$0x3FB4] =	sst s8  }
0x11: {  	[smem:$0x3FB5] =	sst s9;
	s0 =	simm.s32 @!p0 $0x0  }
0x12: {  	s1 =	sld [smem:$0x3F9B];
	s0 =	simm.s32 @p0 $0x1  }
0x13: {  	[smem:$0x3FB6] =	sst s0;
	s0 =	simm.s32 @!p1 $0x0  }
0x14: {  	s2 =	sld [smem:$0x3F9A];
	s0 =	simm.s32 @p1 $0x1  }
0x15: {  	[smem:$0x3FB7] =	sst s0;
	s0 =	simm.s32 @!p2 $0x0  }
0x16: {  	s3 =	sld [smem:$0x3FDB];
	s0 =	simm.s32 @p2 $0x1  }
0x17: {  	s4 =	simm.s32 $0x1BF5;
	[smem:$0x3FB9] =	sst s0  }
0x18: {  	s0 =	sld [smem:$0x3F9C];
	_ =	swait.ge [sflag:s4], $0x0  }
0x19: {  	s7 =	sld [smem:$0x3F9D]  }
0x1a: {  	s8 =	sadd.s32 $0xFFFFE003, lr  }
0x1b: {  	s9 =	sadd.s32 $0xFFFFFEF7, lr;
	s5 =	simm.s32 $0xFFFFFFFF;
	p2 =	slt.u32 s8, $0xFFFFF086  }
0x1c: {  	p1 =	slt.u32 s9, $0xF7A;
	s5 =	simm.s32 @!p2 $0x0  }
0x1d: {  	s5 =	simm.s32 @p1 $0x1;
	p0 =	seq.s32 s7, s2  }
0x1e: {  	s7 =	smul.u32 @!p0 $0xF7A, s2;
	p2 =	seq.s32 @!p0 s5, $0x0  }
0x1f: {  	s9 =	smul.u32 $0xF7A, s1;
	s8 =	simm.s32 @!p0 $0x1BF5;
	p2 =	por !p2, p0  }
0x20: {  	[sflag:s8] =	ssyncset.s32 @!p0 $0xFFFFF086;
	s6 =	sadd.s32 @!p0 s3, s7;
	s7 =	simm.s32 @!p0 $0x108  }
0x21: {  	s3 =	sadd.s32 s3, s9;
	s6 =	sadd.s32 @!p0 $0x88, s6;
	s7 =	simm.s32 @p2 $0x1082  }
0x22: {  	[simem:s7], [sflag:s8] =	dma.local @!p0 [hbm:s6], $0xF7A  }
0x23: {  	s9 =	sor.u32 $0xD0000000, s2;
	s6 =	simm.s32 $0x108;
	_ =	swait.ge @!p0 [sflag:s8], $0x0  }
0x24: {  	s3 =	sadd.s32 $0x88, s3;
	s6 =	simm.s32 @!p1 $0x1082;
	[sflag:s4] =	ssyncset.s32 $0xFFFFF086  }
0x25: {  	[simem:s6], [sflag:s4] =	dma.local [hbm:s3], $0xF7A  }
0x26: {  	[smem:$0x3F9D] =	sst s1;
	(tag) =	ssettag s2;
	_ =	strace s9  }
0x27: {  	s1 =	sld [smem:$0x3FAD]  }
0x28: {  	s2 =	sld [smem:$0x3FAE]  }
0x29: {  	s4 =	sld [smem:$0x3FB0]  }
0x2a: {  	p0 =	seq.s32 s5, $0x0;
	s5 =	sld [smem:$0x3FB1]  }
0x2b: {  	s6 =	sld [smem:$0x3FB2]  }
0x2c: {  	s7 =	sld [smem:$0x3FB3]  }
0x2d: {  	s3 =	simm.s32 $0x108;
	s8 =	sld [smem:$0x3FB4]  }
0x2e: {  	s3 =	simm.s32 @!p0 $0x1082;
	s9 =	sld [smem:$0x3FB5]  }
0x2f: {  	lr =	sadd.s32 s0, s3;
	s0 =	sld [smem:$0x3FAC]  }
0x30: {  	s3 =	sld [smem:$0x3FAF]  }
0x31: {  	[smem:$0x3FB8] =	sst s10  }
0x32: {  	s10 =	sld [smem:$0x3FB6];
	_ =	sdelay $0x3  }
0x33: {  	p0 =	seq.s32 s10, $0x1;
	s10 =	sld [smem:$0x3FB8];
	_ =	sdelay $0x3  }
0x34: {  	[smem:$0x3FB8] =	sst s10  }
0x35: {  	s10 =	sld [smem:$0x3FB7];
	_ =	sdelay $0x3  }
0x36: {  	p1 =	seq.s32 s10, $0x1;
	s10 =	sld [smem:$0x3FB8];
	_ =	sdelay $0x3  }
0x37: {  	[smem:$0x3FB8] =	sst s10  }
0x38: {  	s10 =	sld [smem:$0x3FB9]  }
0x39: {  	_ = 	snop;
	(pc) =	sbr.ind lr, $3  }
0x3a: {  	_ = 	snop  }
0x3b: {  	_ = 	snop  }
0x3c: {  	p2 =	seq.s32 s10, $0x1;
	s10 =	sld [smem:$0x3FB8]  }
0x3d: {  	_ =	shalt  }
0x3e: {  	_ =	shalt  }
0x3f: {  	_ =	shalt  }
0x40: {  	_ =	shalt  }
0x41: {  	_ =	shalt  }
0x42: {  	_ =	shalt  }
0x43: {  	_ =	shalt  }
0x44: {  	_ =	shalt  }
0x45: {  	_ =	shalt  }
0x46: {  	_ =	shalt  }
0x47: {  	_ =	shalt  }
0x48: {  	_ =	shalt  }
0x49: {  	_ =	shalt  }
0x4a: {  	_ =	shalt  }
0x4b: {  	_ =	shalt  }
0x4c: {  	_ =	shalt  }
0x4d: {  	_ =	shalt  }
0x4e: {  	_ =	shalt  }
0x4f: {  	_ =	shalt  }
0x50: {  	_ =	shalt  }
0x51: {  	_ =	shalt  }
0x52: {  	_ =	shalt  }
0x53: {  	_ =	shalt  }
0x54: {  	_ =	shalt  }
0x55: {  	_ =	shalt  }
0x56: {  	_ =	shalt  }
0x57: {  	_ =	shalt  }
0x58: {  	_ =	shalt  }
0x59: {  	_ =	shalt  }
0x5a: {  	_ =	shalt  }
0x5b: {  	_ =	shalt  }
0x5c: {  	_ =	shalt  }
0x5d: {  	_ =	shalt  }
0x5e: {  	_ =	shalt  }
0x5f: {  	_ =	shalt  }
0x60: {  	_ =	shalt  }
0x61: {  	_ =	shalt  }
0x62: {  	_ =	shalt  }
0x63: {  	_ =	shalt  }
0x64: {  	_ =	shalt  }
0x65: {  	_ =	shalt  }
0x66: {  	_ =	shalt  }
0x67: {  	_ =	shalt  }
0x68: {  	_ =	shalt  }
0x69: {  	_ =	shalt  }
0x6a: {  	_ =	shalt  }
0x6b: {  	_ =	shalt  }
0x6c: {  	_ =	shalt  }
0x6d: {  	_ =	shalt  }
0x6e: {  	_ =	shalt  }
0x6f: {  	_ =	shalt  }
0x70: {  	_ =	shalt  }
0x71: {  	_ =	shalt  }
0x72: {  	_ =	shalt  }
0x73: {  	_ =	shalt  }
0x74: {  	_ =	shalt  }
0x75: {  	_ =	shalt  }
0x76: {  	_ =	shalt  }
0x77: {  	_ =	shalt  }
0x78: {  	_ =	shalt  }
0x79: {  	_ =	shalt  }
0x7a: {  	_ =	shalt  }
0x7b: {  	_ =	shalt  }
0x7c: {  	_ =	shalt  }
0x7d: {  	_ =	shalt  }
0x7e: {  	_ =	shalt  }
0x7f: {  	_ =	shalt  }
0x80: {  	_ =	shalt  }
0x81: {  	_ =	shalt  }
0x82: {  	_ =	shalt  }
0x83: {  	_ =	shalt  }
0x84: {  	_ =	shalt  }
0x85: {  	_ =	shalt  }
0x86: {  	_ =	shalt  }
0x87: {  	_ =	shalt  }
.Lfunc_end0:
.L_simem_size_0:
called_computation.1_lowered:
.L_overlay_start_0:
0x88: {  	s2 =	sld [smem:$0x3FD9]  }
0x89: {  	s3 =	sld [smem:$0x3FFE];
	_ =	sdelay $0x1  }
0x8a: {  	s1 =	srdreg.scid  }
0x8b: {  	s0 =	sand.u32 $0x1, s1  }
0x8c: {  	s14 =	sshll.u32 s0, $0xA;
	s2 =	sadd.s32 s3, s2  }
0x8d: {  	s2 =	sadd.s32 s2, s14  }
0x8e: {  	[smem:$0x3FC4] =	sst s2  }
0x8f: {  	_ = 	snop  }
0x90: {  	s2 =	sld [smem:$0x3FD0];
	_ =	sdelay $0x2  }
0x91: {  	s15 =	simm.s32 $0xA;
	s4 =	simm.s32 $0x10  }
0x92: {  	[smem:s4], [sflag:s15] =	dma.local [hbm:s2], $0x1  }
0x93: {  	_ =	swait.eq [sflag:s15], $0x1  }
0x94: {  	[sflag:s15] =	ssyncset.done $0x0  }
0x95: {  	[sflag:s15] =	ssyncadd.s32 $0xFFFFFFFF  }
0x96: {  	s16 =	sld [smem:$0x11];
	(tm) =	ssettm $0x1  }
0x97: {  	s17 =	sld [smem:$0x3FFB];
	_ =	sdelay $0x3  }
0x98: {  	_ =	strace s17  }
0x99: {  	s3 =	sld [smem:$0x3FFC];
	_ =	sdelay $0x3  }
0x9a: {  	_ =	strace s3  }
0x9b: {  	s3 =	sld [smem:$0x3FFD];
	_ =	sdelay $0x3  }
0x9c: {  	_ =	strace s3  }
0x9d: {  	_ =	strace $0x8FFFFFFF  }
0x9e: {  	s18 =	sld [smem:$0x3FDB];
	_ =	sdelay $0x1  }
0x9f: {  	s19 =	simm.s32 $_scs_section_size  }
0xa0: {  	s5 =	simm.s32 $_size__tile_overlayer_lowered;
	s6 =	simm.s32 $_tile_overlayer_lowered  }
0xa1: {  	s22 =	simm.s32 $0x1BFF;
	s21 =	sshll.u32 s6, $0x1;
	s3 =	sadd.s32 s19, s18  }
0xa2: {  	s7 =	simm.s32 $0x0;
	s20 =	sshll.u32 s5, $0x1;
	s5 =	sadd.s32 s21, s3  }
0xa3: {  	[timem:s7], [sflag:s22] =	dma.local [hbm:s5], s20  }
0xa4: {  	_ =	swait.ge [sflag:s22], s20  }
0xa5: {  	s4 =	ssub.s32 $0x0, s20;
	[sflag:s22] =	ssyncset.done $0x0  }
0xa6: {  	[sflag:s22] =	ssyncadd.s32 s4;
	_ =	sdelay $0x1  }
0xa7: {  	s23 =	simm.s32 $0x1B8B  }
0xa8: {  	_ =	swait.ge [sflag:s23], $0x1  }
0xa9: {  	[sflag:s23] =	ssyncset.done $0x0  }
0xaa: {  	s25 =	simm.s32 $0x1B8E;
	s24 =	sld [smem:$0x3FFE];
	[sflag:s23] =	ssyncadd.s32 $0xFFFFFFFF  }
0xab: {  	s26 =	simm.s32 $execute0_lowered;
	[smem:$0x3FD2] =	sst s25  }
0xac: {  	s5 =	sshll.u32 s26, $0x1;
	_ =	strace $0x80000049;
	[dreg:$0x1] =	wrdreg $0xFFFFFFFF  }
0xad: {  	s28 =	simm.s32 $_size_execute0_lowered;
	s3 =	sadd.s32 s3, s5;
	[dreg:$0x0] =	wrdreg $0x0  }
0xae: {  	s5 =	sshll.u32 s28, $0x1;
	[dreg:$0x2] =	wrdreg s3  }
0xaf: {  	[dreg:$0x3] =	wrdreg s5  }
0xb0: {  	[dreg:$0x4] =	wrdreg $0xC0  }
0xb1: {  	_ =	task [dreg:s7], $0x5FFFF  }
0xb2: {  	[dreg:$0x1] =	wrdreg $0xFFFFFFFF  }
0xb3: {  	[dreg:$0x0] =	wrdreg $0x60  }
0xb4: {  	[dreg:$0x2] =	wrdreg s24  }
0xb5: {  	[dreg:$0x3] =	wrdreg s16  }
0xb6: {  	[dreg:$0x4] =	wrdreg $0x9  }
0xb7: {  	_ =	task.clear_ibuf [dreg:s7], $0x5FFFF;
	_ =	strace $0x90000049  }
0xb8: {  	s29 =	simm.s32 $0x9;
	_ =	strace $0x8000004B  }
0xb9: {  	_ =	swait.ge [sflag:s29], $0x1  }
0xba: {  	[sflag:s29] =	ssyncadd.s32 $0xFFFFFFFF  }
0xbb: {  	_ =	strace $0x9000004B  }
0xbc: {  	_ =	sfence  }
0xbd: {  	s30 =	sld [smem:$0x0];
	_ =	sdelay $0x2  }
0xbe: {  	s31 =	sshll.u32 s1, $0xD;
	s1 =	sshrl.u32 s1, $0x2  }
0xbf: {  	s3 =	sand.u32 $0x4000, s31;
	s1 =	sadd.s32 s1, s30  }
0xc0: {  	s0 =	sor.u32 s3, s0;
	s1 =	sshll.u32 s1, $0x11  }
0xc1: {  	s0 =	sor.u32 s1, s0  }
0xc2: {  	s0 =	sadd.s32 $0x8F2B, s0  }
0xc3: {  	[sflag:s0] =	ssyncadd.remote.s32 $0x1  }
0xc4: {  	_ =	sfence.sel $0xFFFF  }
0xc5: {  	[dreg:$0x0] =	wrdreg $0xFFFFFFFF;
	(pc) =	sbr.abs _section_cstart, $3  }
0xc6: {  	[dreg:$0x1] =	wrdreg $0xFFFFFFFF  }
0xc7: {  	_ =	task.clear_ibuf [dreg:s7], $0x2FFFF;
	_ =	strace $0x9FFFFFFF  }
0xc8: {  	(tm) =	ssettm $0x7FFFFFFF  }
0xc9: {  	_ =	shalt  }
tec
execute0_lowered:
.L_overlay_start_1:
0x0: {  	(tag) =	ssettag $0x1  }
0x1: {  	s4 =	rddreg [dreg:$0x0]  }
0x2: {  	s6 =	rddreg [dreg:$0x1]  }
0x3: {  	s0 =	rddreg [dreg:$0x2];
	s2 =	simm.s32 $0x0;
	s1 =	stileid.u32  }
0x4: {  	s3 =	srdreg.scid;
	[smem:$0x7FF] =	sst s2  }
0x5: {  	s5 =	sshll.u32 s1, $0x11;
	s7 =	sand.u32 $0x1, s3;
	s3 =	sadd.s32 $0x44400, s4  }
0x6: {  	s9 =	sshll.u32 s1, $0xD;
	_ =	strace $0x8000004A;
	s5 =	sadd.s32 s5, s4  }
0x7: {  	s29 =	ssub.s32 $0x2, s7;
	s10 =	sshll.u32 s7, $0xC;
	s7 =	sshll.u32 s7, $0x10  }
0x8: {  	s8 =	sshrl.u32 s29, $0x1;
	s30 =	sor.u32 s10, s9;
	s5 =	sadd.s32 s7, s5  }
0x9: {  	s7 =	simm.s32 $0x2;
	s9 =	simm.s32 $0x1;
	s10 =	simm.s32 $0x0  }
0xa: {  	s4 =	ssub.s32 s29, s8;
	s31 =	sshrl.u32 s30, $0x3;
	s5 =	sadd.s32 $0xC4400, s5  }
0xb: {  	s8 =	simm.s32 $0x80;
	s4 =	smax.u32 s4, $0x1;
	s6 =	sadd.s32 s31, s6  }
.LBB2_1:
0xc: {  	s11 =	sadd.s32 $0x0, s6  }
0xd: {  	[tilespmem:s2], [sflag:$0x2] =	stream.linear.gather [hbm4b:s11+s2], $0x80, $0x38;
	[tilespmem:$0x4080] =	vst v63  }
0xe: {  	_ =	swait.ge [sflag:s7], $0x80  }
0xf: {  	[sflag:s7] =	ssyncset.done $0x0  }
0x10: {  	[sflag:s7] =	ssyncadd.s32 $0xFFFFFF80  }
0x11: {  	[tilespmem:s8], [sflag:$0x1] =	stream.indirect.gather [hbm4b:s3+s8], $0x80, s2, s8, $0xb8;
	[tilespmem:$0x4080] =	vst v63  }
0x12: {  	_ =	swait.ge [sflag:s9], $0x4000  }
0x13: {  	[sflag:s9] =	ssyncset.done $0x0  }
0x14: {  	[sflag:s9] =	ssyncadd.s32 $0xFFFFC000  }
0x15: {  	[hbm4b:s5+s2] =	stream.linear.scatter [tilespmem:s8], [sflag:$0x2], $0x4000, $0x38;
	[tilespmem:$0x4080] =	vst v63  }
0x16: {  	s12 =	simm.s32 $0x10;
	_ =	swait.ge [sflag:s7], $0x4000  }
0x17: {  	s13 =	simm.s32 $0x20;
	s11 =	sadd.s32 $0x800, s5;
	[sflag:s7] =	ssyncset.done $0x0  }
.LBB2_2:
0x18: {  	s14 =	sadd.s32 s12, s6  }
0x19: {  	[sflag:s7] =	ssyncadd.s32 $0xFFFFC000;
	s12 =	smov.u32 s13;
	s15 =	sadd.s32 $0x10, s13  }
0x1a: {  	[tilespmem:s2], [sflag:$0x2] =	stream.linear.gather [hbm4b:s14+s2], $0x80, $0x38;
	[tilespmem:$0x4080] =	vst v63  }
0x1b: {  	p0 =	sne.s32 s13, $0x1F0;
	_ =	swait.ge [sflag:s7], $0x80  }
0x1c: {  	[sflag:s7] =	ssyncset.done $0x0  }
0x1d: {  	[sflag:s7] =	ssyncadd.s32 $0xFFFFFF80  }
0x1e: {  	[tilespmem:s8], [sflag:$0x1] =	stream.indirect.gather [hbm4b:s3+s8], $0x80, s2, s8, $0xb8;
	[tilespmem:$0x4080] =	vst v63  }
0x1f: {  	_ =	swait.ge [sflag:s9], $0x4000  }
.Ltmp0:
0x20: {  	[sflag:s9] =	ssyncset.done $0x0;
	(pc) =	sbr.rel @p0 .LBB2_2-.Ltmp0, $4  }
0x21: {  	[sflag:s9] =	ssyncadd.s32 $0xFFFFC000  }
0x22: {  	[hbm4b:s11+s2] =	stream.linear.scatter [tilespmem:s8], [sflag:$0x2], $0x4000, $0x38;
	[tilespmem:$0x4080] =	vst v63  }
0x23: {  	_ =	swait.ge [sflag:s7], $0x4000  }
0x24: {  	s13 =	smov.u32 s15;
	s11 =	sadd.s32 $0x800, s11;
	[sflag:s7] =	ssyncset.done $0x0  }
0x25: {  	s12 =	sadd.s32 s12, s6;
	[sflag:s7] =	ssyncadd.s32 $0xFFFFC000  }
0x26: {  	[tilespmem:s2], [sflag:$0x2] =	stream.linear.gather [hbm4b:s12+s2], $0x80, $0x38;
	[tilespmem:$0x4080] =	vst v63  }
0x27: {  	_ =	swait.ge [sflag:s7], $0x80  }
0x28: {  	[sflag:s7] =	ssyncset.done $0x0  }
0x29: {  	[sflag:s7] =	ssyncadd.s32 $0xFFFFFF80  }
0x2a: {  	[tilespmem:s8], [sflag:$0x1] =	stream.indirect.gather [hbm4b:s3+s8], $0x80, s2, s8, $0xb8;
	[tilespmem:$0x4080] =	vst v63  }
0x2b: {  	s10 =	sadd.s32 $0x1, s10;
	_ =	swait.ge [sflag:s9], $0x4000  }
0x2c: {  	p0 =	sne.s32 s10, s4;
	[sflag:s9] =	ssyncset.done $0x0  }
.Ltmp1:
0x2d: {  	[sflag:s9] =	ssyncadd.s32 $0xFFFFC000;
	(pc) =	sbr.rel @p0 .LBB2_1-.Ltmp1, $4  }
0x2e: {  	[hbm4b:s11+s2] =	stream.linear.scatter [tilespmem:s8], [sflag:$0x2], $0x4000, $0x38;
	[tilespmem:$0x4080] =	vst v63  }
0x2f: {  	_ =	swait.ge [sflag:s7], $0x4000  }
0x30: {  	[sflag:s7] =	ssyncset.done $0x0  }
0x31: {  	[sflag:s7] =	ssyncadd.s32 $0xFFFFC000  }
0x32: {  	_ =	sfence.sel $0x180000  }
0x33: {  	[bflag:$0x0] =	sbarrier.arrive $0xFFFF  }
0x34: {  	p0 =	sne.s32 s1, $0x0;
	_ =	strace $0x9000004A  }
0x35: {  	s0 =	sadd.s32 @!p0 $0x100000, s0;
	[bflag:$0x2] =	sbarrier.arrive $0xFFFF  }
0x36: {  	[sflag:s0] =	ssyncadd.tile.s32 @!p0 $0x1;
	_ =	shalt  }
.Lfunc_end2:
_tile_overlayer_lowered:
.L_overlay_start_2:
0x37: {  	(tag) =	ssettag $0x2  }
0x38: {  	s0 =	rddreg [dreg:$0x0];
	s2 =	stileid.u32  }
0x39: {  	s1 =	rddreg [dreg:$0x1];
	p0 =	sne.s32 s2, $0x0  }
0x3a: {  	s3 =	rddreg [dreg:$0x2];
	[bflag:$0x3] =	sbarrier.arrive $0xFFFF;
	s2 =	simm.s32 @!p0 $0x1C02  }
0x3b: {  	[timem:s3], [sflag:s2] =	dma.local @!p0 [hbm:s0], s1  }
0x3c: {  	s0 =	simm.s32 @!p0 $0x2  }
0x3d: {  	_ =	swait.ge @!p0 [sflag:s0], s1  }
0x3e: {  	s1 =	ssub.s32 @!p0 $0x0, s1;
	[sflag:s0] =	ssyncset.done @!p0 $0x0  }
0x3f: {  	[sflag:s0] =	ssyncadd.s32 @!p0 s1  }
0x40: {  	[bflag:$0x3] =	sbarrier.arrive $0xFFFF  }
0x41: {  	_ =	shalt  }

</sc_bundles>
